<compile_context>
chip_gen: v7x
topology: tpu7x:2x2x1
jax: 0.10.2.dev20260603
libtpu: 0.0.44.dev20260713+nightly
codegen_flags: <defaults>
</compile_context>

<pallas_src>
import functools

import jax
import jax.numpy as jnp
from jax import lax
from jax.experimental import pallas as pl
from jax.experimental.pallas import tpu as pltpu
from jax.experimental.pallas import tpu_sc as plsc

_NC = 2
_NS = 16
_NW = _NC * _NS

_CHUNK = 104


def _segment_sum_sc(h, src, dst):
    N, D = h.shape
    E = src.shape[0]
    per_w = -(-E // (_NW * _CHUNK)) * _CHUNK
    n_chunks = per_w // _CHUNK
    rows_per_tile = -(-N // (_NS * 8)) * 8
    Np = rows_per_tile * _NS

    pad = per_w * _NW - E
    if pad:
        pad_rows = Np - N
        src = jnp.concatenate(
            [src, jnp.arange(pad, dtype=jnp.int32) * (N // pad)])
        dst = jnp.concatenate(
            [dst, N + (jnp.arange(pad, dtype=jnp.int32) % pad_rows)])
    dst3 = dst.reshape(_NW, n_chunks, _CHUNK)

    mesh = plsc.VectorSubcoreMesh(core_axis_name="c", subcore_axis_name="s")

    @functools.partial(
        pl.kernel,
        out_type=jax.ShapeDtypeStruct((_NC, Np, D), jnp.float32),
        mesh=mesh,
        scratch_types=[
            pltpu.VMEM((per_w,), jnp.int32),
            pltpu.VMEM((n_chunks, _CHUNK), jnp.int32),
            pltpu.VMEM((_CHUNK, D), jnp.float32),
            pltpu.VMEM((_CHUNK, D), jnp.float32),
            pltpu.VMEM_SHARED((Np, D), jnp.float32),
            pltpu.SemaphoreType.DMA,
            pltpu.SemaphoreType.DMA,
        ],
    )
    def seg_sum(h_hbm, src_hbm, dst_hbm, out_hbm, sidx_v, didx_v, rows_a,
                rows_b, acc_sh, sem_a, sem_b):
        c = lax.axis_index("c")
        s = lax.axis_index("s")
        wid = s * _NC + c

        pltpu.async_copy(src_hbm.at[pl.ds(wid * per_w, per_w)], sidx_v, sem_a)
        pltpu.async_copy(dst_hbm.at[wid], didx_v, sem_b)

        zeros16 = jnp.zeros((16,), jnp.float32)

        def zfill(i, _):
            r = i // (D // 16)
            col = (i % (D // 16)) * 16
            rows_a[r, pl.ds(col, 16)] = zeros16
            return 0

        lax.fori_loop(0, _CHUNK * (D // 16), zfill, 0)
        nfull = rows_per_tile // _CHUNK
        rem = rows_per_tile % _CHUNK

        def zcopy(k, _):
            pltpu.sync_copy(rows_a, acc_sh.at[pl.ds(s * rows_per_tile + k * _CHUNK, _CHUNK)])
            return 0

        lax.fori_loop(0, nfull, zcopy, 0)
        if rem:
            pltpu.sync_copy(
                rows_a.at[pl.ds(0, rem)],
                acc_sh.at[pl.ds(s * rows_per_tile + nfull * _CHUNK, rem)])
        pltpu.make_async_copy(src_hbm.at[pl.ds(wid * per_w, per_w)], sidx_v,
                              sem_a).wait()
        pltpu.make_async_copy(dst_hbm.at[wid], didx_v, sem_b).wait()
        plsc.subcore_barrier()

        def start_gather(j, rows_v, sem):
            pltpu.async_copy(h_hbm.at[sidx_v.at[pl.ds(j * _CHUNK, _CHUNK)]], rows_v, sem)

        def wait_gather(j, rows_v, sem):
            pltpu.make_async_copy(h_hbm.at[sidx_v.at[pl.ds(j * _CHUNK, _CHUNK)]], rows_v, sem).wait()

        start_gather(0, rows_a, sem_a)
        start_gather(1, rows_b, sem_b)

        def scatter(j, rows_v):
            pltpu.sync_copy(rows_v, acc_sh.at[didx_v.at[j]], add=True)

        def pair(k, _):
            j = 2 * k
            wait_gather(j, rows_a, sem_a)
            scatter(j, rows_a)
            start_gather(j + 2, rows_a, sem_a)
            wait_gather(j + 1, rows_b, sem_b)
            scatter(j + 1, rows_b)
            start_gather(j + 3, rows_b, sem_b)
            return 0

        if n_chunks % 2 == 0:
            lax.fori_loop(0, n_chunks // 2 - 1, pair, 0)
            wait_gather(n_chunks - 2, rows_a, sem_a)
            scatter(n_chunks - 2, rows_a)
            wait_gather(n_chunks - 1, rows_b, sem_b)
            scatter(n_chunks - 1, rows_b)
        else:
            lax.fori_loop(0, (n_chunks - 3) // 2, pair, 0)
            wait_gather(n_chunks - 3, rows_a, sem_a)
            scatter(n_chunks - 3, rows_a)
            start_gather(n_chunks - 1, rows_a, sem_a)
            wait_gather(n_chunks - 2, rows_b, sem_b)
            scatter(n_chunks - 2, rows_b)
            wait_gather(n_chunks - 1, rows_a, sem_a)
            scatter(n_chunks - 1, rows_a)
        plsc.subcore_barrier()

        r0 = s * rows_per_tile
        pltpu.sync_copy(acc_sh.at[pl.ds(r0, rows_per_tile)],
                        out_hbm.at[c, pl.ds(r0, rows_per_tile)])

    return seg_sum(h, src, dst3)


_ROWS_BLK = 2000


def _mlp_body(x_ref, agg_ref, Wa_ref, ba_ref, Wb_ref, bb_ref, o_ref):
    z = x_ref[...] + agg_ref[0] + agg_ref[1]
    h1 = jnp.dot(z, Wa_ref[...], preferred_element_type=jnp.float32)
    h1 = jnp.maximum(h1 + ba_ref[...], 0.0)
    h2 = jnp.dot(h1, Wb_ref[...], preferred_element_type=jnp.float32)
    o_ref[...] = jnp.maximum(h2 + bb_ref[...], 0.0)


def _mlp(x, agg, Wa, ba, Wb, bb):
    N, D = x.shape
    H = Wa.shape[1]
    grid = (N // _ROWS_BLK,)
    return pl.pallas_call(
        _mlp_body,
        grid=grid,
        in_specs=[
            pl.BlockSpec((_ROWS_BLK, D), lambda i: (i, 0)),
            pl.BlockSpec((_NC, _ROWS_BLK, D), lambda i: (0, i, 0)),
            pl.BlockSpec((D, H), lambda i: (0, 0)),
            pl.BlockSpec((1, H), lambda i: (0, 0)),
            pl.BlockSpec((H, H), lambda i: (0, 0)),
            pl.BlockSpec((1, H), lambda i: (0, 0)),
        ],
        out_specs=pl.BlockSpec((_ROWS_BLK, H), lambda i: (i, 0)),
        out_shape=jax.ShapeDtypeStruct((N, H), jnp.float32),
    )(x, agg, Wa, ba, Wb, bb)


def kernel(x, edge_index, W1, b1, W2, b2, W3, b3, W4, b4):
    src = edge_index[0]
    dst = edge_index[1]
    b1r = b1.reshape(1, -1)
    b2r = b2.reshape(1, -1)
    b3r = b3.reshape(1, -1)
    b4r = b4.reshape(1, -1)
    agg1 = _segment_sum_sc(x, src, dst)
    h = _mlp(x, agg1, W1, b1r, W2, b2r)
    agg2 = _segment_sum_sc(h, src, dst)
    out = _mlp(h, agg2, W3, b3r, W4, b4r)
    return out

# --- scband reference (transcript-rebuilt; emitter-appended) ---
"""Pipeline reference for scband-gin-84507776516707 (READ-ONLY COPY).

The authoritative reference and input builder live on the scoring server;
editing this copy changes nothing except your own understanding.
"""

import jax, jax.numpy as jnp
import numpy as np

N = 10000
E = 320000
D = 128
H = 128


def setup_inputs(seed: int = 0) -> dict:
    key = jax.random.key(seed)
    ks = jax.random.split(key, 12)
    x = jax.random.normal(ks[0], (N, D), dtype=jnp.float32)
    # jax defaults to int32 indices; values are in [0, N)
    edge_index = jax.random.randint(ks[1], (2, E), 0, N, dtype=jnp.int32)
    s1 = 1.0 / np.sqrt(D)
    s2 = 1.0 / np.sqrt(H)
    # conv1 MLP: Linear(D->H), ReLU, Linear(H->H), ReLU
    W1 = jax.random.normal(ks[2], (D, H), dtype=jnp.float32) * s1
    b1 = jnp.zeros((H,), dtype=jnp.float32)
    W2 = jax.random.normal(ks[3], (H, H), dtype=jnp.float32) * s2
    b2 = jnp.zeros((H,), dtype=jnp.float32)
    # conv2 MLP: Linear(H->H), ReLU, Linear(H->H), ReLU
    W3 = jax.random.normal(ks[4], (H, H), dtype=jnp.float32) * s2
    b3 = jnp.zeros((H,), dtype=jnp.float32)
    W4 = jax.random.normal(ks[5], (H, H), dtype=jnp.float32) * s2
    b4 = jnp.zeros((H,), dtype=jnp.float32)
    return {"x": x, "edge_index": edge_index, "W1": W1, "b1": b1, "W2": W2, "b2": b2, "W3": W3, "b3": b3, "W4": W4, "b4": b4}


def _gin_conv(h, src, dst, Wa, ba, Wb, bb):
    # GINConv (eps=0, train_eps=False): out = nn((1+eps)*x + sum_{j in N(i)} x_j)
    agg = jax.ops.segment_sum(h[src], dst, num_segments=N)
    z = h + agg
    z = jax.nn.relu(z @ Wa + ba)
    z = jax.nn.relu(z @ Wb + bb)
    return z


def reference(x, edge_index, W1, b1, W2, b2, W3, b3, W4, b4):
    src = edge_index[0]
    dst = edge_index[1]
    h = _gin_conv(x, src, dst, W1, b1, W2, b2)
    h = jax.nn.relu(h)  # F.relu in the outer forward (idempotent after MLP's ReLU)
    h = _gin_conv(h, src, dst, W3, b3, W4, b4)
    return h

if __name__ == "__main__":
    import jax
    _d = setup_inputs()
    print(jax.jit(kernel)(*tuple(_d.values())))

</pallas_src>

<mosaic_0001>
#map = affine_map<(d0, d1) -> (0, 0)>
#map1 = affine_map<(d0, d1) -> (0)>
#map2 = affine_map<(d0, d1) -> (0, 0, 0)>
module attributes {stable_mosaic.version = 14 : i64} {
  func.func @seg_sum(%arg0: i32, %arg1: i32, %arg2: memref<10000x128xf32, #tpu.memory_space<hbm>>, %arg3: memref<322816xi32, #tpu.memory_space<hbm>>, %arg4: memref<32x97x104xi32, #tpu.memory_space<hbm>>, %arg5: memref<2x10112x128xf32, #tpu.memory_space<hbm>>, %arg6: memref<10088xi32, #tpu.memory_space<vmem>>, %arg7: memref<97x104xi32, #tpu.memory_space<vmem>>, %arg8: memref<104x128xf32, #tpu.memory_space<vmem>>, %arg9: memref<104x128xf32, #tpu.memory_space<vmem>>, %arg10: memref<10112x128xf32, #tpu.memory_space<vmem_shared>>, %arg11: memref<!tpu.dma_semaphore, #tpu.memory_space<semaphore_mem>>, %arg12: memref<!tpu.dma_semaphore, #tpu.memory_space<semaphore_mem>>) attributes {dimension_semantics = [#tpu.dimension_semantics<core_parallel>, #tpu.dimension_semantics<subcore_parallel>], iteration_bounds = array<i64: 2, 16>, scalar_prefetch = 0 : i64, scratch_operands = 7 : i64, tpu.core_type = #tpu.core_type<sc_vector_subcore>, window_params = [{transform_indices = #map}, {transform_indices = #map1}, {transform_indices = #map2}, {transform_indices = #map2}]} {
    %mul3A = arith.constant 2 : i32
    %mul3A_0 = arith.muli %arg1, %mul3A : i32
    %add3A = arith.addi %mul3A_0, %arg0 : i32
    %mul3A_1 = arith.constant 10088 : i32
    %mul3A_2 = arith.muli %add3A, %mul3A_1 : i32
    %dma_start3A = tpu.memref_slice %arg3[%mul3A_2] : memref<322816xi32, #tpu.memory_space<hbm>> -> memref<10088xi32, #tpu.memory_space<hbm>>
    %dma_start3A_3 = tpu.memref_slice %arg3[%mul3A_2] : memref<322816xi32, #tpu.memory_space<hbm>> -> memref<10088xi32, #tpu.memory_space<hbm>>
    tpu.enqueue_dma source(%dma_start3A_3 : memref<10088xi32, #tpu.memory_space<hbm>>) target(%arg6 : memref<10088xi32, #tpu.memory_space<vmem>>) target_semaphore(%arg11 : memref<!tpu.dma_semaphore, #tpu.memory_space<semaphore_mem>>)
    %dma_start3A_4 = arith.constant 0 : i32
    %dma_start3A_5 = arith.constant 0 : i32
    %dma_start3A_6 = tpu.memref_slice %arg4[%add3A, %dma_start3A_4, %dma_start3A_5] : memref<32x97x104xi32, #tpu.memory_space<hbm>> -> memref<1x97x104xi32, #tpu.memory_space<hbm>>
    %dma_start3A_7 = tpu.memref_squeeze %dma_start3A_6 : memref<1x97x104xi32, #tpu.memory_space<hbm>> -> memref<97x104xi32, #tpu.memory_space<hbm>>
    %dma_start3A_8 = arith.constant 0 : i32
    %dma_start3A_9 = arith.constant 0 : i32
    %dma_start3A_10 = tpu.memref_slice %arg4[%add3A, %dma_start3A_8, %dma_start3A_9] : memref<32x97x104xi32, #tpu.memory_space<hbm>> -> memref<1x97x104xi32, #tpu.memory_space<hbm>>
    %dma_start3A_11 = tpu.memref_squeeze %dma_start3A_10 : memref<1x97x104xi32, #tpu.memory_space<hbm>> -> memref<97x104xi32, #tpu.memory_space<hbm>>
    tpu.enqueue_dma source(%dma_start3A_11 : memref<97x104xi32, #tpu.memory_space<hbm>>) target(%arg7 : memref<97x104xi32, #tpu.memory_space<vmem>>) target_semaphore(%arg12 : memref<!tpu.dma_semaphore, #tpu.memory_space<semaphore_mem>>)
    %broadcast_in_dim3A = arith.constant 0.000000e+00 : f32
    %broadcast_in_dim3A_12 = vector.broadcast %broadcast_in_dim3A : f32 to vector<16xf32>
    %scan3A = arith.constant 0 : i32
    %scan3A_13 = arith.constant 0 : i32
    %scan3A_14 = arith.constant 832 : i32
    %scan3A_15 = arith.addi %scan3A_13, %scan3A_14 : i32
    %scan3A_16 = arith.constant 1 : i32
    %scan3A_17 = scf.for %scan3A_83 = %scan3A_13 to %scan3A_15 step %scan3A_16 iter_args(%scan3A_84 = %scan3A) -> (i32)  : i32 {
      %jit3A = arith.constant 8 : i32
      %div3A = arith.divsi %scan3A_83, %jit3A : i32
      %sign3A = arith.constant 0 : i32
      %sign3A_85 = arith.cmpi sgt, %scan3A_83, %sign3A : i32
      %sign3A_86 = arith.extui %sign3A_85 : i1 to i32
      %sign3A_87 = arith.constant 0 : i32
      %sign3A_88 = arith.cmpi slt, %scan3A_83, %sign3A_87 : i32
      %sign3A_89 = arith.extui %sign3A_88 : i1 to i32
      %sign3A_90 = arith.subi %sign3A_86, %sign3A_89 : i32
      %sign3A_91 = arith.constant 0 : i32
      %sign3A_92 = arith.cmpi sgt, %jit3A, %sign3A_91 : i32
      %sign3A_93 = arith.extui %sign3A_92 : i1 to i32
      %sign3A_94 = arith.constant 0 : i32
      %sign3A_95 = arith.cmpi slt, %jit3A, %sign3A_94 : i32
      %sign3A_96 = arith.extui %sign3A_95 : i1 to i32
      %sign3A_97 = arith.subi %sign3A_93, %sign3A_96 : i32
      %ne3A = arith.cmpi ne, %sign3A_90, %sign3A_97 : i32
      %rem3A = arith.remsi %scan3A_83, %jit3A : i32
      %ne3A_98 = arith.constant 0 : i32
      %ne3A_99 = arith.cmpi ne, %rem3A, %ne3A_98 : i32
      %and3A = arith.andi %ne3A, %ne3A_99 : i1
      %sub3A = arith.constant 1 : i32
      %sub3A_100 = arith.subi %div3A, %sub3A : i32
      %select_n3A = arith.select %and3A, %sub3A_100, %div3A : i32
      %jit3A_101 = arith.constant 8 : i32
      %eq3A = arith.constant 0 : i32
      %eq3A_102 = arith.cmpi eq, %jit3A_101, %eq3A : i32
      %jit3A_103 = arith.constant 1 : i32
      %select_n3A_104 = arith.select %eq3A_102, %jit3A_103, %jit3A_101 : i32
      %rem3A_105 = arith.remsi %scan3A_83, %select_n3A_104 : i32
      %ne3A_106 = arith.constant 0 : i32
      %ne3A_107 = arith.cmpi ne, %rem3A_105, %ne3A_106 : i32
      %lt3A = arith.constant 0 : i32
      %lt3A_108 = arith.cmpi slt, %rem3A_105, %lt3A : i32
      %lt3A_109 = arith.constant 0 : i32
      %lt3A_110 = arith.cmpi slt, %select_n3A_104, %lt3A_109 : i32
      %ne3A_111 = arith.xori %lt3A_108, %lt3A_110 : i1
      %and3A_112 = arith.andi %ne3A_111, %ne3A_107 : i1
      %add3A_113 = arith.addi %rem3A_105, %select_n3A_104 : i32
      %select_n3A_114 = arith.select %and3A_112, %add3A_113, %rem3A_105 : i32
      %mul3A_115 = arith.constant 16 : i32
      %mul3A_116 = arith.muli %select_n3A_114, %mul3A_115 : i32
      %swap3A = arith.index_cast %select_n3A : i32 to index
      %swap3A_117 = arith.index_cast %mul3A_116 : i32 to index
      %swap3A_118 = tpu.vector_load %arg8[%swap3A, %swap3A_117] {strides = array<i32>} : memref<104x128xf32, #tpu.memory_space<vmem>>, vector<1x16xf32>,
      %swap3A_119 = vector.shape_cast %swap3A_118 : vector<1x16xf32> to vector<16xf32>
      %swap3A_120 = vector.shape_cast %broadcast_in_dim3A_12 : vector<16xf32> to vector<1x16xf32>
      tpu.vector_store %arg8[%swap3A, %swap3A_117], %swap3A_120 {strides = array<i32>} : memref<104x128xf32, #tpu.memory_space<vmem>>, vector<1x16xf32>,
      %scan3A_121 = arith.constant 0 : i32
      scf.yield %scan3A_121 : i32
    }
    %scan3A_18 = arith.constant 832 : i32
    %scan3A_19 = arith.constant 0 : i32
    %scan3A_20 = arith.constant 0 : i32
    %scan3A_21 = arith.constant 6 : i32
    %scan3A_22 = arith.addi %scan3A_20, %scan3A_21 : i32
    %scan3A_23 = arith.constant 1 : i32
    %scan3A_24 = scf.for %scan3A_83 = %scan3A_20 to %scan3A_22 step %scan3A_23 iter_args(%scan3A_84 = %scan3A_19) -> (i32)  : i32 {
      %mul3A_85 = arith.constant 632 : i32
      %mul3A_86 = arith.muli %arg1, %mul3A_85 : i32
      %mul3A_87 = arith.constant 104 : i32
      %mul3A_88 = arith.muli %scan3A_83, %mul3A_87 : i32
      %add3A_89 = arith.addi %mul3A_86, %mul3A_88 : i32
      "tpu.region"() ({
        %run_scoped3A_91 = tpu.sem_alloc : memref<!tpu.dma_semaphore, #tpu.memory_space<semaphore_mem>>
        %dma_start3A_92 = arith.constant 0 : i32
        %dma_start3A_93 = tpu.memref_slice %arg10[%add3A_89, %dma_start3A_92] : memref<10112x128xf32, #tpu.memory_space<vmem_shared>> -> memref<104x128xf32, #tpu.memory_space<vmem_shared>>
        %dma_start3A_94 = arith.constant 0 : i32
        %dma_start3A_95 = tpu.memref_slice %arg10[%add3A_89, %dma_start3A_94] : memref<10112x128xf32, #tpu.memory_space<vmem_shared>> -> memref<104x128xf32, #tpu.memory_space<vmem_shared>>
        tpu.enqueue_dma source(%arg8 : memref<104x128xf32, #tpu.memory_space<vmem>>) target(%dma_start3A_95 : memref<104x128xf32, #tpu.memory_space<vmem_shared>>) target_semaphore(%run_scoped3A_91 : memref<!tpu.dma_semaphore, #tpu.memory_space<semaphore_mem>>)
        %dma_wait3A_96 = arith.constant 0 : i32
        %dma_wait3A_97 = tpu.memref_slice %arg10[%add3A_89, %dma_wait3A_96] : memref<10112x128xf32, #tpu.memory_space<vmem_shared>> -> memref<104x128xf32, #tpu.memory_space<vmem_shared>>
        %dma_wait3A_98 = arith.constant 0 : i32
        %dma_wait3A_99 = tpu.memref_slice %arg10[%add3A_89, %dma_wait3A_98] : memref<10112x128xf32, #tpu.memory_space<vmem_shared>> -> memref<104x128xf32, #tpu.memory_space<vmem_shared>>
        tpu.wait_dma2 semaphore(%run_scoped3A_91 : memref<!tpu.dma_semaphore, #tpu.memory_space<semaphore_mem>>) src(%arg8 : memref<104x128xf32, #tpu.memory_space<vmem>>) dst(%dma_wait3A_99 : memref<104x128xf32, #tpu.memory_space<vmem_shared>>)
        tpu.yield
      }) : () -> ()
      %scan3A_90 = arith.constant 0 : i32
      scf.yield %scan3A_90 : i32
    }
    %scan3A_25 = arith.constant 6 : i32
    %mul3A_26 = arith.constant 632 : i32
    %mul3A_27 = arith.muli %arg1, %mul3A_26 : i32
    %add3A_28 = arith.constant 624 : i32
    %add3A_29 = arith.addi %mul3A_27, %add3A_28 : i32
    "tpu.region"() ({
      %run_scoped3A_83 = tpu.sem_alloc : memref<!tpu.dma_semaphore, #tpu.memory_space<semaphore_mem>>
      %dma_start3A_84 = arith.constant 0 : i32
      %dma_start3A_85 = arith.constant 0 : i32
      %dma_start3A_86 = tpu.memref_slice %arg8[%dma_start3A_84, %dma_start3A_85] : memref<104x128xf32, #tpu.memory_space<vmem>> -> memref<8x128xf32, #tpu.memory_space<vmem>>
      %dma_start3A_87 = arith.constant 0 : i32
      %dma_start3A_88 = tpu.memref_slice %arg10[%add3A_29, %dma_start3A_87] : memref<10112x128xf32, #tpu.memory_space<vmem_shared>> -> memref<8x128xf32, #tpu.memory_space<vmem_shared>>
      %dma_start3A_89 = arith.constant 0 : i32
      %dma_start3A_90 = tpu.memref_slice %arg10[%add3A_29, %dma_start3A_89] : memref<10112x128xf32, #tpu.memory_space<vmem_shared>> -> memref<8x128xf32, #tpu.memory_space<vmem_shared>>
      %dma_start3A_91 = arith.constant 0 : i32
      %dma_start3A_92 = arith.constant 0 : i32
      %dma_start3A_93 = tpu.memref_slice %arg8[%dma_start3A_91, %dma_start3A_92] : memref<104x128xf32, #tpu.memory_space<vmem>> -> memref<8x128xf32, #tpu.memory_space<vmem>>
      tpu.enqueue_dma source(%dma_start3A_93 : memref<8x128xf32, #tpu.memory_space<vmem>>) target(%dma_start3A_90 : memref<8x128xf32, #tpu.memory_space<vmem_shared>>) target_semaphore(%run_scoped3A_83 : memref<!tpu.dma_semaphore, #tpu.memory_space<semaphore_mem>>)
      %dma_wait3A_94 = arith.constant 0 : i32
      %dma_wait3A_95 = arith.constant 0 : i32
      %dma_wait3A_96 = tpu.memref_slice %arg8[%dma_wait3A_94, %dma_wait3A_95] : memref<104x128xf32, #tpu.memory_space<vmem>> -> memref<8x128xf32, #tpu.memory_space<vmem>>
      %dma_wait3A_97 = arith.constant 0 : i32
      %dma_wait3A_98 = tpu.memref_slice %arg10[%add3A_29, %dma_wait3A_97] : memref<10112x128xf32, #tpu.memory_space<vmem_shared>> -> memref<8x128xf32, #tpu.memory_space<vmem_shared>>
      %dma_wait3A_99 = arith.constant 0 : i32
      %dma_wait3A_100 = tpu.memref_slice %arg10[%add3A_29, %dma_wait3A_99] : memref<10112x128xf32, #tpu.memory_space<vmem_shared>> -> memref<8x128xf32, #tpu.memory_space<vmem_shared>>
      %dma_wait3A_101 = arith.constant 0 : i32
      %dma_wait3A_102 = arith.constant 0 : i32
      %dma_wait3A_103 = tpu.memref_slice %arg8[%dma_wait3A_101, %dma_wait3A_102] : memref<104x128xf32, #tpu.memory_space<vmem>> -> memref<8x128xf32, #tpu.memory_space<vmem>>
      tpu.wait_dma2 semaphore(%run_scoped3A_83 : memref<!tpu.dma_semaphore, #tpu.memory_space<semaphore_mem>>) src(%dma_wait3A_103 : memref<8x128xf32, #tpu.memory_space<vmem>>) dst(%dma_wait3A_100 : memref<8x128xf32, #tpu.memory_space<vmem_shared>>)
      tpu.yield
    }) : () -> ()
    %mul3A_30 = arith.constant 10088 : i32
    %mul3A_31 = arith.muli %add3A, %mul3A_30 : i32
    %dma_wait3A = tpu.memref_slice %arg3[%mul3A_31] : memref<322816xi32, #tpu.memory_space<hbm>> -> memref<10088xi32, #tpu.memory_space<hbm>>
    %dma_wait3A_32 = tpu.memref_slice %arg3[%mul3A_31] : memref<322816xi32, #tpu.memory_space<hbm>> -> memref<10088xi32, #tpu.memory_space<hbm>>
    tpu.wait_dma2 semaphore(%arg11 : memref<!tpu.dma_semaphore, #tpu.memory_space<semaphore_mem>>) src(%dma_wait3A_32 : memref<10088xi32, #tpu.memory_space<hbm>>) dst(%arg6 : memref<10088xi32, #tpu.memory_space<vmem>>)
    %dma_wait3A_33 = arith.constant 0 : i32
    %dma_wait3A_34 = arith.constant 0 : i32
    %dma_wait3A_35 = tpu.memref_slice %arg4[%add3A, %dma_wait3A_33, %dma_wait3A_34] : memref<32x97x104xi32, #tpu.memory_space<hbm>> -> memref<1x97x104xi32, #tpu.memory_space<hbm>>
    %dma_wait3A_36 = tpu.memref_squeeze %dma_wait3A_35 : memref<1x97x104xi32, #tpu.memory_space<hbm>> -> memref<97x104xi32, #tpu.memory_space<hbm>>
    %dma_wait3A_37 = arith.constant 0 : i32
    %dma_wait3A_38 = arith.constant 0 : i32
    %dma_wait3A_39 = tpu.memref_slice %arg4[%add3A, %dma_wait3A_37, %dma_wait3A_38] : memref<32x97x104xi32, #tpu.memory_space<hbm>> -> memref<1x97x104xi32, #tpu.memory_space<hbm>>
    %dma_wait3A_40 = tpu.memref_squeeze %dma_wait3A_39 : memref<1x97x104xi32, #tpu.memory_space<hbm>> -> memref<97x104xi32, #tpu.memory_space<hbm>>
    tpu.wait_dma2 semaphore(%arg12 : memref<!tpu.dma_semaphore, #tpu.memory_space<semaphore_mem>>) src(%dma_wait3A_40 : memref<97x104xi32, #tpu.memory_space<hbm>>) dst(%arg7 : memref<97x104xi32, #tpu.memory_space<vmem>>)
    %barrier3A = arith.constant 0 : index
    tpu.barrier barrier_id(%barrier3A)
    %dma_start3A_41 = arith.constant 0 : i32
    %dma_start3A_42 = tpu.memref_slice %arg6[%dma_start3A_41] : memref<10088xi32, #tpu.memory_space<vmem>> -> memref<104xi32, #tpu.memory_space<vmem>>
    %dma_start3A_43 = arith.constant 0 : i32
    %dma_start3A_44 = arith.constant 0 : i32
    %dma_start3A_45 = tpu.memref_slice %arg2[%dma_start3A_43, %dma_start3A_44] : memref<10000x128xf32, #tpu.memory_space<hbm>> -> memref<10000x128xf32, #tpu.memory_space<hbm>>
    tpu.enqueue_indirect_dma source(%dma_start3A_45 : memref<10000x128xf32, #tpu.memory_space<hbm>>) target(%arg8 : memref<104x128xf32, #tpu.memory_space<vmem>>) offsets(%dma_start3A_42 : memref<104xi32, #tpu.memory_space<vmem>>) semaphore(%arg11 : memref<!tpu.dma_semaphore, #tpu.memory_space<semaphore_mem>>)
    %dma_start3A_46 = arith.constant 104 : i32
    %dma_start3A_47 = tpu.memref_slice %arg6[%dma_start3A_46] : memref<10088xi32, #tpu.memory_space<vmem>> -> memref<104xi32, #tpu.memory_space<vmem>>
    %dma_start3A_48 = arith.constant 0 : i32
    %dma_start3A_49 = arith.constant 0 : i32
    %dma_start3A_50 = tpu.memref_slice %arg2[%dma_start3A_48, %dma_start3A_49] : memref<10000x128xf32, #tpu.memory_space<hbm>> -> memref<10000x128xf32, #tpu.memory_space<hbm>>
    tpu.enqueue_indirect_dma source(%dma_start3A_50 : memref<10000x128xf32, #tpu.memory_space<hbm>>) target(%arg9 : memref<104x128xf32, #tpu.memory_space<vmem>>) offsets(%dma_start3A_47 : memref<104xi32, #tpu.memory_space<vmem>>) semaphore(%arg12 : memref<!tpu.dma_semaphore, #tpu.memory_space<semaphore_mem>>)
    %scan3A_51 = arith.constant 0 : i32
    %scan3A_52 = arith.constant 0 : i32
    %scan3A_53 = arith.constant 47 : i32
    %scan3A_54 = arith.addi %scan3A_52, %scan3A_53 : i32
    %scan3A_55 = arith.constant 1 : i32
    %scan3A_56 = scf.for %scan3A_83 = %scan3A_52 to %scan3A_54 step %scan3A_55 iter_args(%scan3A_84 = %scan3A_51) -> (i32)  : i32 {
      %mul3A_85 = arith.constant 2 : i32
      %mul3A_86 = arith.muli %mul3A_85, %scan3A_83 : i32
      %mul3A_87 = arith.constant 104 : i32
      %mul3A_88 = arith.muli %mul3A_86, %mul3A_87 : i32
      %dma_wait3A_89 = tpu.memref_slice %arg6[%mul3A_88] : memref<10088xi32, #tpu.memory_space<vmem>> -> memref<104xi32, #tpu.memory_space<vmem>>
      %dma_wait3A_90 = arith.constant 0 : i32
      %dma_wait3A_91 = arith.constant 0 : i32
      %dma_wait3A_92 = tpu.memref_slice %arg2[%dma_wait3A_90, %dma_wait3A_91] : memref<10000x128xf32, #tpu.memory_space<hbm>> -> memref<10000x128xf32, #tpu.memory_space<hbm>>
      tpu.wait_indirect_dma semaphore(%arg11 : memref<!tpu.dma_semaphore, #tpu.memory_space<semaphore_mem>>) src(%dma_wait3A_92 : memref<10000x128xf32, #tpu.memory_space<hbm>>) dst(%arg8 : memref<104x128xf32, #tpu.memory_space<vmem>>)
      "tpu.region"() ({
        %run_scoped3A_120 = tpu.sem_alloc : memref<!tpu.dma_semaphore, #tpu.memory_space<semaphore_mem>>
        %dma_start3A_121 = arith.constant 0 : i32
        %dma_start3A_122 = tpu.memref_slice %arg7[%mul3A_86, %dma_start3A_121] : memref<97x104xi32, #tpu.memory_space<vmem>> -> memref<1x104xi32, #tpu.memory_space<vmem>>
        %dma_start3A_123 = tpu.memref_squeeze %dma_start3A_122 : memref<1x104xi32, #tpu.memory_space<vmem>> -> memref<104xi32, #tpu.memory_space<vmem>>
        %dma_start3A_124 = arith.constant 0 : i32
        %dma_start3A_125 = arith.constant 0 : i32
        %dma_start3A_126 = tpu.memref_slice %arg10[%dma_start3A_124, %dma_start3A_125] : memref<10112x128xf32, #tpu.memory_space<vmem_shared>> -> memref<10112x128xf32, #tpu.memory_space<vmem_shared>>
        tpu.enqueue_indirect_dma source(%arg8 : memref<104x128xf32, #tpu.memory_space<vmem>>) target(%dma_start3A_126 : memref<10112x128xf32, #tpu.memory_space<vmem_shared>>) offsets(%dma_start3A_123 : memref<104xi32, #tpu.memory_space<vmem>>) semaphore(%run_scoped3A_120 : memref<!tpu.dma_semaphore, #tpu.memory_space<semaphore_mem>>) {add = true}
        %dma_wait3A_127 = arith.constant 0 : i32
        %dma_wait3A_128 = tpu.memref_slice %arg7[%mul3A_86, %dma_wait3A_127] : memref<97x104xi32, #tpu.memory_space<vmem>> -> memref<1x104xi32, #tpu.memory_space<vmem>>
        %dma_wait3A_129 = tpu.memref_squeeze %dma_wait3A_128 : memref<1x104xi32, #tpu.memory_space<vmem>> -> memref<104xi32, #tpu.memory_space<vmem>>
        %dma_wait3A_130 = arith.constant 0 : i32
        %dma_wait3A_131 = arith.constant 0 : i32
        %dma_wait3A_132 = tpu.memref_slice %arg10[%dma_wait3A_130, %dma_wait3A_131] : memref<10112x128xf32, #tpu.memory_space<vmem_shared>> -> memref<10112x128xf32, #tpu.memory_space<vmem_shared>>
        tpu.wait_indirect_dma semaphore(%run_scoped3A_120 : memref<!tpu.dma_semaphore, #tpu.memory_space<semaphore_mem>>) src(%arg8 : memref<104x128xf32, #tpu.memory_space<vmem>>) dst(%dma_wait3A_132 : memref<10112x128xf32, #tpu.memory_space<vmem_shared>>)
        tpu.yield
      }) : () -> ()
      %add3A_93 = arith.constant 2 : i32
      %add3A_94 = arith.addi %mul3A_86, %add3A_93 : i32
      %mul3A_95 = arith.constant 104 : i32
      %mul3A_96 = arith.muli %add3A_94, %mul3A_95 : i32
      %dma_start3A_97 = tpu.memref_slice %arg6[%mul3A_96] : memref<10088xi32, #tpu.memory_space<vmem>> -> memref<104xi32, #tpu.memory_space<vmem>>
      %dma_start3A_98 = arith.constant 0 : i32
      %dma_start3A_99 = arith.constant 0 : i32
      %dma_start3A_100 = tpu.memref_slice %arg2[%dma_start3A_98, %dma_start3A_99] : memref<10000x128xf32, #tpu.memory_space<hbm>> -> memref<10000x128xf32, #tpu.memory_space<hbm>>
      tpu.enqueue_indirect_dma source(%dma_start3A_100 : memref<10000x128xf32, #tpu.memory_space<hbm>>) target(%arg8 : memref<104x128xf32, #tpu.memory_space<vmem>>) offsets(%dma_start3A_97 : memref<104xi32, #tpu.memory_space<vmem>>) semaphore(%arg11 : memref<!tpu.dma_semaphore, #tpu.memory_space<semaphore_mem>>)
      %add3A_101 = arith.constant 1 : i32
      %add3A_102 = arith.addi %mul3A_86, %add3A_101 : i32
      %mul3A_103 = arith.constant 104 : i32
      %mul3A_104 = arith.muli %add3A_102, %mul3A_103 : i32
      %dma_wait3A_105 = tpu.memref_slice %arg6[%mul3A_104] : memref<10088xi32, #tpu.memory_space<vmem>> -> memref<104xi32, #tpu.memory_space<vmem>>
      %dma_wait3A_106 = arith.constant 0 : i32
      %dma_wait3A_107 = arith.constant 0 : i32
      %dma_wait3A_108 = tpu.memref_slice %arg2[%dma_wait3A_106, %dma_wait3A_107] : memref<10000x128xf32, #tpu.memory_space<hbm>> -> memref<10000x128xf32, #tpu.memory_space<hbm>>
      tpu.wait_indirect_dma semaphore(%arg12 : memref<!tpu.dma_semaphore, #tpu.memory_space<semaphore_mem>>) src(%dma_wait3A_108 : memref<10000x128xf32, #tpu.memory_space<hbm>>) dst(%arg9 : memref<104x128xf32, #tpu.memory_space<vmem>>)
      %add3A_109 = arith.constant 1 : i32
      %add3A_110 = arith.addi %mul3A_86, %add3A_109 : i32
      "tpu.region"() ({
        %run_scoped3A_120 = tpu.sem_alloc : memref<!tpu.dma_semaphore, #tpu.memory_space<semaphore_mem>>
        %dma_start3A_121 = arith.constant 0 : i32
        %dma_start3A_122 = tpu.memref_slice %arg7[%add3A_110, %dma_start3A_121] : memref<97x104xi32, #tpu.memory_space<vmem>> -> memref<1x104xi32, #tpu.memory_space<vmem>>
        %dma_start3A_123 = tpu.memref_squeeze %dma_start3A_122 : memref<1x104xi32, #tpu.memory_space<vmem>> -> memref<104xi32, #tpu.memory_space<vmem>>
        %dma_start3A_124 = arith.constant 0 : i32
        %dma_start3A_125 = arith.constant 0 : i32
        %dma_start3A_126 = tpu.memref_slice %arg10[%dma_start3A_124, %dma_start3A_125] : memref<10112x128xf32, #tpu.memory_space<vmem_shared>> -> memref<10112x128xf32, #tpu.memory_space<vmem_shared>>
        tpu.enqueue_indirect_dma source(%arg9 : memref<104x128xf32, #tpu.memory_space<vmem>>) target(%dma_start3A_126 : memref<10112x128xf32, #tpu.memory_space<vmem_shared>>) offsets(%dma_start3A_123 : memref<104xi32, #tpu.memory_space<vmem>>) semaphore(%run_scoped3A_120 : memref<!tpu.dma_semaphore, #tpu.memory_space<semaphore_mem>>) {add = true}
        %dma_wait3A_127 = arith.constant 0 : i32
        %dma_wait3A_128 = tpu.memref_slice %arg7[%add3A_110, %dma_wait3A_127] : memref<97x104xi32, #tpu.memory_space<vmem>> -> memref<1x104xi32, #tpu.memory_space<vmem>>
        %dma_wait3A_129 = tpu.memref_squeeze %dma_wait3A_128 : memref<1x104xi32, #tpu.memory_space<vmem>> -> memref<104xi32, #tpu.memory_space<vmem>>
        %dma_wait3A_130 = arith.constant 0 : i32
        %dma_wait3A_131 = arith.constant 0 : i32
        %dma_wait3A_132 = tpu.memref_slice %arg10[%dma_wait3A_130, %dma_wait3A_131] : memref<10112x128xf32, #tpu.memory_space<vmem_shared>> -> memref<10112x128xf32, #tpu.memory_space<vmem_shared>>
        tpu.wait_indirect_dma semaphore(%run_scoped3A_120 : memref<!tpu.dma_semaphore, #tpu.memory_space<semaphore_mem>>) src(%arg9 : memref<104x128xf32, #tpu.memory_space<vmem>>) dst(%dma_wait3A_132 : memref<10112x128xf32, #tpu.memory_space<vmem_shared>>)
        tpu.yield
      }) : () -> ()
      %add3A_111 = arith.constant 3 : i32
      %add3A_112 = arith.addi %mul3A_86, %add3A_111 : i32
      %mul3A_113 = arith.constant 104 : i32
      %mul3A_114 = arith.muli %add3A_112, %mul3A_113 : i32
      %dma_start3A_115 = tpu.memref_slice %arg6[%mul3A_114] : memref<10088xi32, #tpu.memory_space<vmem>> -> memref<104xi32, #tpu.memory_space<vmem>>
      %dma_start3A_116 = arith.constant 0 : i32
      %dma_start3A_117 = arith.constant 0 : i32
      %dma_start3A_118 = tpu.memref_slice %arg2[%dma_start3A_116, %dma_start3A_117] : memref<10000x128xf32, #tpu.memory_space<hbm>> -> memref<10000x128xf32, #tpu.memory_space<hbm>>
      tpu.enqueue_indirect_dma source(%dma_start3A_118 : memref<10000x128xf32, #tpu.memory_space<hbm>>) target(%arg9 : memref<104x128xf32, #tpu.memory_space<vmem>>) offsets(%dma_start3A_115 : memref<104xi32, #tpu.memory_space<vmem>>) semaphore(%arg12 : memref<!tpu.dma_semaphore, #tpu.memory_space<semaphore_mem>>)
      %scan3A_119 = arith.constant 0 : i32
      scf.yield %scan3A_119 : i32
    }
    %scan3A_57 = arith.constant 47 : i32
    %dma_wait3A_58 = arith.constant 9776 : i32
    %dma_wait3A_59 = tpu.memref_slice %arg6[%dma_wait3A_58] : memref<10088xi32, #tpu.memory_space<vmem>> -> memref<104xi32, #tpu.memory_space<vmem>>
    %dma_wait3A_60 = arith.constant 0 : i32
    %dma_wait3A_61 = arith.constant 0 : i32
    %dma_wait3A_62 = tpu.memref_slice %arg2[%dma_wait3A_60, %dma_wait3A_61] : memref<10000x128xf32, #tpu.memory_space<hbm>> -> memref<10000x128xf32, #tpu.memory_space<hbm>>
    tpu.wait_indirect_dma semaphore(%arg11 : memref<!tpu.dma_semaphore, #tpu.memory_space<semaphore_mem>>) src(%dma_wait3A_62 : memref<10000x128xf32, #tpu.memory_space<hbm>>) dst(%arg8 : memref<104x128xf32, #tpu.memory_space<vmem>>)
    %run_scoped3A = arith.constant 94 : i32
    "tpu.region"() ({
      %run_scoped3A_83 = tpu.sem_alloc : memref<!tpu.dma_semaphore, #tpu.memory_space<semaphore_mem>>
      %dma_start3A_84 = arith.constant 0 : i32
      %dma_start3A_85 = tpu.memref_slice %arg7[%run_scoped3A, %dma_start3A_84] : memref<97x104xi32, #tpu.memory_space<vmem>> -> memref<1x104xi32, #tpu.memory_space<vmem>>
      %dma_start3A_86 = tpu.memref_squeeze %dma_start3A_85 : memref<1x104xi32, #tpu.memory_space<vmem>> -> memref<104xi32, #tpu.memory_space<vmem>>
      %dma_start3A_87 = arith.constant 0 : i32
      %dma_start3A_88 = arith.constant 0 : i32
      %dma_start3A_89 = tpu.memref_slice %arg10[%dma_start3A_87, %dma_start3A_88] : memref<10112x128xf32, #tpu.memory_space<vmem_shared>> -> memref<10112x128xf32, #tpu.memory_space<vmem_shared>>
      tpu.enqueue_indirect_dma source(%arg8 : memref<104x128xf32, #tpu.memory_space<vmem>>) target(%dma_start3A_89 : memref<10112x128xf32, #tpu.memory_space<vmem_shared>>) offsets(%dma_start3A_86 : memref<104xi32, #tpu.memory_space<vmem>>) semaphore(%run_scoped3A_83 : memref<!tpu.dma_semaphore, #tpu.memory_space<semaphore_mem>>) {add = true}
      %dma_wait3A_90 = arith.constant 0 : i32
      %dma_wait3A_91 = tpu.memref_slice %arg7[%run_scoped3A, %dma_wait3A_90] : memref<97x104xi32, #tpu.memory_space<vmem>> -> memref<1x104xi32, #tpu.memory_space<vmem>>
      %dma_wait3A_92 = tpu.memref_squeeze %dma_wait3A_91 : memref<1x104xi32, #tpu.memory_space<vmem>> -> memref<104xi32, #tpu.memory_space<vmem>>
      %dma_wait3A_93 = arith.constant 0 : i32
      %dma_wait3A_94 = arith.constant 0 : i32
      %dma_wait3A_95 = tpu.memref_slice %arg10[%dma_wait3A_93, %dma_wait3A_94] : memref<10112x128xf32, #tpu.memory_space<vmem_shared>> -> memref<10112x128xf32, #tpu.memory_space<vmem_shared>>
      tpu.wait_indirect_dma semaphore(%run_scoped3A_83 : memref<!tpu.dma_semaphore, #tpu.memory_space<semaphore_mem>>) src(%arg8 : memref<104x128xf32, #tpu.memory_space<vmem>>) dst(%dma_wait3A_95 : memref<10112x128xf32, #tpu.memory_space<vmem_shared>>)
      tpu.yield
    }) : () -> ()
    %dma_start3A_63 = arith.constant 9984 : i32
    %dma_start3A_64 = tpu.memref_slice %arg6[%dma_start3A_63] : memref<10088xi32, #tpu.memory_space<vmem>> -> memref<104xi32, #tpu.memory_space<vmem>>
    %dma_start3A_65 = arith.constant 0 : i32
    %dma_start3A_66 = arith.constant 0 : i32
    %dma_start3A_67 = tpu.memref_slice %arg2[%dma_start3A_65, %dma_start3A_66] : memref<10000x128xf32, #tpu.memory_space<hbm>> -> memref<10000x128xf32, #tpu.memory_space<hbm>>
    tpu.enqueue_indirect_dma source(%dma_start3A_67 : memref<10000x128xf32, #tpu.memory_space<hbm>>) target(%arg8 : memref<104x128xf32, #tpu.memory_space<vmem>>) offsets(%dma_start3A_64 : memref<104xi32, #tpu.memory_space<vmem>>) semaphore(%arg11 : memref<!tpu.dma_semaphore, #tpu.memory_space<semaphore_mem>>)
    %dma_wait3A_68 = arith.constant 9880 : i32
    %dma_wait3A_69 = tpu.memref_slice %arg6[%dma_wait3A_68] : memref<10088xi32, #tpu.memory_space<vmem>> -> memref<104xi32, #tpu.memory_space<vmem>>
    %dma_wait3A_70 = arith.constant 0 : i32
    %dma_wait3A_71 = arith.constant 0 : i32
    %dma_wait3A_72 = tpu.memref_slice %arg2[%dma_wait3A_70, %dma_wait3A_71] : memref<10000x128xf32, #tpu.memory_space<hbm>> -> memref<10000x128xf32, #tpu.memory_space<hbm>>
    tpu.wait_indirect_dma semaphore(%arg12 : memref<!tpu.dma_semaphore, #tpu.memory_space<semaphore_mem>>) src(%dma_wait3A_72 : memref<10000x128xf32, #tpu.memory_space<hbm>>) dst(%arg9 : memref<104x128xf32, #tpu.memory_space<vmem>>)
    %run_scoped3A_73 = arith.constant 95 : i32
    "tpu.region"() ({
      %run_scoped3A_83 = tpu.sem_alloc : memref<!tpu.dma_semaphore, #tpu.memory_space<semaphore_mem>>
      %dma_start3A_84 = arith.constant 0 : i32
      %dma_start3A_85 = tpu.memref_slice %arg7[%run_scoped3A_73, %dma_start3A_84] : memref<97x104xi32, #tpu.memory_space<vmem>> -> memref<1x104xi32, #tpu.memory_space<vmem>>
      %dma_start3A_86 = tpu.memref_squeeze %dma_start3A_85 : memref<1x104xi32, #tpu.memory_space<vmem>> -> memref<104xi32, #tpu.memory_space<vmem>>
      %dma_start3A_87 = arith.constant 0 : i32
      %dma_start3A_88 = arith.constant 0 : i32
      %dma_start3A_89 = tpu.memref_slice %arg10[%dma_start3A_87, %dma_start3A_88] : memref<10112x128xf32, #tpu.memory_space<vmem_shared>> -> memref<10112x128xf32, #tpu.memory_space<vmem_shared>>
      tpu.enqueue_indirect_dma source(%arg9 : memref<104x128xf32, #tpu.memory_space<vmem>>) target(%dma_start3A_89 : memref<10112x128xf32, #tpu.memory_space<vmem_shared>>) offsets(%dma_start3A_86 : memref<104xi32, #tpu.memory_space<vmem>>) semaphore(%run_scoped3A_83 : memref<!tpu.dma_semaphore, #tpu.memory_space<semaphore_mem>>) {add = true}
      %dma_wait3A_90 = arith.constant 0 : i32
      %dma_wait3A_91 = tpu.memref_slice %arg7[%run_scoped3A_73, %dma_wait3A_90] : memref<97x104xi32, #tpu.memory_space<vmem>> -> memref<1x104xi32, #tpu.memory_space<vmem>>
      %dma_wait3A_92 = tpu.memref_squeeze %dma_wait3A_91 : memref<1x104xi32, #tpu.memory_space<vmem>> -> memref<104xi32, #tpu.memory_space<vmem>>
      %dma_wait3A_93 = arith.constant 0 : i32
      %dma_wait3A_94 = arith.constant 0 : i32
      %dma_wait3A_95 = tpu.memref_slice %arg10[%dma_wait3A_93, %dma_wait3A_94] : memref<10112x128xf32, #tpu.memory_space<vmem_shared>> -> memref<10112x128xf32, #tpu.memory_space<vmem_shared>>
      tpu.wait_indirect_dma semaphore(%run_scoped3A_83 : memref<!tpu.dma_semaphore, #tpu.memory_space<semaphore_mem>>) src(%arg9 : memref<104x128xf32, #tpu.memory_space<vmem>>) dst(%dma_wait3A_95 : memref<10112x128xf32, #tpu.memory_space<vmem_shared>>)
      tpu.yield
    }) : () -> ()
    %dma_wait3A_74 = arith.constant 9984 : i32
    %dma_wait3A_75 = tpu.memref_slice %arg6[%dma_wait3A_74] : memref<10088xi32, #tpu.memory_space<vmem>> -> memref<104xi32, #tpu.memory_space<vmem>>
    %dma_wait3A_76 = arith.constant 0 : i32
    %dma_wait3A_77 = arith.constant 0 : i32
    %dma_wait3A_78 = tpu.memref_slice %arg2[%dma_wait3A_76, %dma_wait3A_77] : memref<10000x128xf32, #tpu.memory_space<hbm>> -> memref<10000x128xf32, #tpu.memory_space<hbm>>
    tpu.wait_indirect_dma semaphore(%arg11 : memref<!tpu.dma_semaphore, #tpu.memory_space<semaphore_mem>>) src(%dma_wait3A_78 : memref<10000x128xf32, #tpu.memory_space<hbm>>) dst(%arg8 : memref<104x128xf32, #tpu.memory_space<vmem>>)
    %run_scoped3A_79 = arith.constant 96 : i32
    "tpu.region"() ({
      %run_scoped3A_83 = tpu.sem_alloc : memref<!tpu.dma_semaphore, #tpu.memory_space<semaphore_mem>>
      %dma_start3A_84 = arith.constant 0 : i32
      %dma_start3A_85 = tpu.memref_slice %arg7[%run_scoped3A_79, %dma_start3A_84] : memref<97x104xi32, #tpu.memory_space<vmem>> -> memref<1x104xi32, #tpu.memory_space<vmem>>
      %dma_start3A_86 = tpu.memref_squeeze %dma_start3A_85 : memref<1x104xi32, #tpu.memory_space<vmem>> -> memref<104xi32, #tpu.memory_space<vmem>>
      %dma_start3A_87 = arith.constant 0 : i32
      %dma_start3A_88 = arith.constant 0 : i32
      %dma_start3A_89 = tpu.memref_slice %arg10[%dma_start3A_87, %dma_start3A_88] : memref<10112x128xf32, #tpu.memory_space<vmem_shared>> -> memref<10112x128xf32, #tpu.memory_space<vmem_shared>>
      tpu.enqueue_indirect_dma source(%arg8 : memref<104x128xf32, #tpu.memory_space<vmem>>) target(%dma_start3A_89 : memref<10112x128xf32, #tpu.memory_space<vmem_shared>>) offsets(%dma_start3A_86 : memref<104xi32, #tpu.memory_space<vmem>>) semaphore(%run_scoped3A_83 : memref<!tpu.dma_semaphore, #tpu.memory_space<semaphore_mem>>) {add = true}
      %dma_wait3A_90 = arith.constant 0 : i32
      %dma_wait3A_91 = tpu.memref_slice %arg7[%run_scoped3A_79, %dma_wait3A_90] : memref<97x104xi32, #tpu.memory_space<vmem>> -> memref<1x104xi32, #tpu.memory_space<vmem>>
      %dma_wait3A_92 = tpu.memref_squeeze %dma_wait3A_91 : memref<1x104xi32, #tpu.memory_space<vmem>> -> memref<104xi32, #tpu.memory_space<vmem>>
      %dma_wait3A_93 = arith.constant 0 : i32
      %dma_wait3A_94 = arith.constant 0 : i32
      %dma_wait3A_95 = tpu.memref_slice %arg10[%dma_wait3A_93, %dma_wait3A_94] : memref<10112x128xf32, #tpu.memory_space<vmem_shared>> -> memref<10112x128xf32, #tpu.memory_space<vmem_shared>>
      tpu.wait_indirect_dma semaphore(%run_scoped3A_83 : memref<!tpu.dma_semaphore, #tpu.memory_space<semaphore_mem>>) src(%arg8 : memref<104x128xf32, #tpu.memory_space<vmem>>) dst(%dma_wait3A_95 : memref<10112x128xf32, #tpu.memory_space<vmem_shared>>)
      tpu.yield
    }) : () -> ()
    %barrier3A_80 = arith.constant 0 : index
    tpu.barrier barrier_id(%barrier3A_80)
    %mul3A_81 = arith.constant 632 : i32
    %mul3A_82 = arith.muli %arg1, %mul3A_81 : i32
    "tpu.region"() ({
      %run_scoped3A_83 = tpu.sem_alloc : memref<!tpu.dma_semaphore, #tpu.memory_space<semaphore_mem>>
      %dma_start3A_84 = arith.constant 0 : i32
      %dma_start3A_85 = tpu.memref_slice %arg5[%arg0, %mul3A_82, %dma_start3A_84] : memref<2x10112x128xf32, #tpu.memory_space<hbm>> -> memref<1x632x128xf32, #tpu.memory_space<hbm>>
      %dma_start3A_86 = tpu.memref_squeeze %dma_start3A_85 : memref<1x632x128xf32, #tpu.memory_space<hbm>> -> memref<632x128xf32, #tpu.memory_space<hbm>>
      %dma_start3A_87 = arith.constant 0 : i32
      %dma_start3A_88 = tpu.memref_slice %arg10[%mul3A_82, %dma_start3A_87] : memref<10112x128xf32, #tpu.memory_space<vmem_shared>> -> memref<632x128xf32, #tpu.memory_space<vmem_shared>>
      tpu.enqueue_dma source(%dma_start3A_88 : memref<632x128xf32, #tpu.memory_space<vmem_shared>>) target(%dma_start3A_86 : memref<632x128xf32, #tpu.memory_space<hbm>>) target_semaphore(%run_scoped3A_83 : memref<!tpu.dma_semaphore, #tpu.memory_space<semaphore_mem>>)
      %dma_wait3A_89 = arith.constant 0 : i32
      %dma_wait3A_90 = tpu.memref_slice %arg5[%arg0, %mul3A_82, %dma_wait3A_89] : memref<2x10112x128xf32, #tpu.memory_space<hbm>> -> memref<1x632x128xf32, #tpu.memory_space<hbm>>
      %dma_wait3A_91 = tpu.memref_squeeze %dma_wait3A_90 : memref<1x632x128xf32, #tpu.memory_space<hbm>> -> memref<632x128xf32, #tpu.memory_space<hbm>>
      %dma_wait3A_92 = arith.constant 0 : i32
      %dma_wait3A_93 = tpu.memref_slice %arg10[%mul3A_82, %dma_wait3A_92] : memref<10112x128xf32, #tpu.memory_space<vmem_shared>> -> memref<632x128xf32, #tpu.memory_space<vmem_shared>>
      tpu.wait_dma2 semaphore(%run_scoped3A_83 : memref<!tpu.dma_semaphore, #tpu.memory_space<semaphore_mem>>) src(%dma_wait3A_93 : memref<632x128xf32, #tpu.memory_space<vmem_shared>>) dst(%dma_wait3A_91 : memref<632x128xf32, #tpu.memory_space<hbm>>)
      tpu.yield
    }) : () -> ()
    return
  }
}

#map = affine_map<(d0, d1) -> (0, 0)>
#map1 = affine_map<(d0, d1) -> (0)>
#map2 = affine_map<(d0, d1) -> (0, 0, 0)>
module attributes {stable_mosaic.version = 14 : i64} {
  func.func @seg_sum(%arg0: i32, %arg1: i32, %arg2: memref<10000x128xf32, #tpu.memory_space<hbm>>, %arg3: memref<322816xi32, #tpu.memory_space<hbm>>, %arg4: memref<32x97x104xi32, #tpu.memory_space<hbm>>, %arg5: memref<2x10112x128xf32, #tpu.memory_space<hbm>>, %arg6: memref<10088xi32, #tpu.memory_space<vmem>>, %arg7: memref<97x104xi32, #tpu.memory_space<vmem>>, %arg8: memref<104x128xf32, #tpu.memory_space<vmem>>, %arg9: memref<104x128xf32, #tpu.memory_space<vmem>>, %arg10: memref<10112x128xf32, #tpu.memory_space<vmem_shared>>, %arg11: memref<!tpu.dma_semaphore, #tpu.memory_space<semaphore_mem>>, %arg12: memref<!tpu.dma_semaphore, #tpu.memory_space<semaphore_mem>>) attributes {dimension_semantics = [#tpu.dimension_semantics<core_parallel>, #tpu.dimension_semantics<subcore_parallel>], iteration_bounds = array<i64: 2, 16>, scalar_prefetch = 0 : i64, scratch_operands = 7 : i64, tpu.core_type = #tpu.core_type<sc_vector_subcore>, window_params = [{transform_indices = #map}, {transform_indices = #map1}, {transform_indices = #map2}, {transform_indices = #map2}]} {
    %mul3A = arith.constant 2 : i32
    %mul3A_0 = arith.muli %arg1, %mul3A : i32
    %add3A = arith.addi %mul3A_0, %arg0 : i32
    %mul3A_1 = arith.constant 10088 : i32
    %mul3A_2 = arith.muli %add3A, %mul3A_1 : i32
    %dma_start3A = tpu.memref_slice %arg3[%mul3A_2] : memref<322816xi32, #tpu.memory_space<hbm>> -> memref<10088xi32, #tpu.memory_space<hbm>>
    %dma_start3A_3 = tpu.memref_slice %arg3[%mul3A_2] : memref<322816xi32, #tpu.memory_space<hbm>> -> memref<10088xi32, #tpu.memory_space<hbm>>
    tpu.enqueue_dma source(%dma_start3A_3 : memref<10088xi32, #tpu.memory_space<hbm>>) target(%arg6 : memref<10088xi32, #tpu.memory_space<vmem>>) target_semaphore(%arg11 : memref<!tpu.dma_semaphore, #tpu.memory_space<semaphore_mem>>)
    %dma_start3A_4 = arith.constant 0 : i32
    %dma_start3A_5 = arith.constant 0 : i32
    %dma_start3A_6 = tpu.memref_slice %arg4[%add3A, %dma_start3A_4, %dma_start3A_5] : memref<32x97x104xi32, #tpu.memory_space<hbm>> -> memref<1x97x104xi32, #tpu.memory_space<hbm>>
    %dma_start3A_7 = tpu.memref_squeeze %dma_start3A_6 : memref<1x97x104xi32, #tpu.memory_space<hbm>> -> memref<97x104xi32, #tpu.memory_space<hbm>>
    %dma_start3A_8 = arith.constant 0 : i32
    %dma_start3A_9 = arith.constant 0 : i32
    %dma_start3A_10 = tpu.memref_slice %arg4[%add3A, %dma_start3A_8, %dma_start3A_9] : memref<32x97x104xi32, #tpu.memory_space<hbm>> -> memref<1x97x104xi32, #tpu.memory_space<hbm>>
    %dma_start3A_11 = tpu.memref_squeeze %dma_start3A_10 : memref<1x97x104xi32, #tpu.memory_space<hbm>> -> memref<97x104xi32, #tpu.memory_space<hbm>>
    tpu.enqueue_dma source(%dma_start3A_11 : memref<97x104xi32, #tpu.memory_space<hbm>>) target(%arg7 : memref<97x104xi32, #tpu.memory_space<vmem>>) target_semaphore(%arg12 : memref<!tpu.dma_semaphore, #tpu.memory_space<semaphore_mem>>)
    %broadcast_in_dim3A = arith.constant 0.000000e+00 : f32
    %broadcast_in_dim3A_12 = vector.broadcast %broadcast_in_dim3A : f32 to vector<16xf32>
    %scan3A = arith.constant 0 : i32
    %scan3A_13 = arith.constant 0 : i32
    %scan3A_14 = arith.constant 832 : i32
    %scan3A_15 = arith.addi %scan3A_13, %scan3A_14 : i32
    %scan3A_16 = arith.constant 1 : i32
    %scan3A_17 = scf.for %scan3A_83 = %scan3A_13 to %scan3A_15 step %scan3A_16 iter_args(%scan3A_84 = %scan3A) -> (i32)  : i32 {
      %jit3A = arith.constant 8 : i32
      %div3A = arith.divsi %scan3A_83, %jit3A : i32
      %sign3A = arith.constant 0 : i32
      %sign3A_85 = arith.cmpi sgt, %scan3A_83, %sign3A : i32
      %sign3A_86 = arith.extui %sign3A_85 : i1 to i32
      %sign3A_87 = arith.constant 0 : i32
      %sign3A_88 = arith.cmpi slt, %scan3A_83, %sign3A_87 : i32
      %sign3A_89 = arith.extui %sign3A_88 : i1 to i32
      %sign3A_90 = arith.subi %sign3A_86, %sign3A_89 : i32
      %sign3A_91 = arith.constant 0 : i32
      %sign3A_92 = arith.cmpi sgt, %jit3A, %sign3A_91 : i32
      %sign3A_93 = arith.extui %sign3A_92 : i1 to i32
      %sign3A_94 = arith.constant 0 : i32
      %sign3A_95 = arith.cmpi slt, %jit3A, %sign3A_94 : i32
      %sign3A_96 = arith.extui %sign3A_95 : i1 to i32
      %sign3A_97 = arith.subi %sign3A_93, %sign3A_96 : i32
      %ne3A = arith.cmpi ne, %sign3A_90, %sign3A_97 : i32
      %rem3A = arith.remsi %scan3A_83, %jit3A : i32
      %ne3A_98 = arith.constant 0 : i32
      %ne3A_99 = arith.cmpi ne, %rem3A, %ne3A_98 : i32
      %and3A = arith.andi %ne3A, %ne3A_99 : i1
      %sub3A = arith.constant 1 : i32
      %sub3A_100 = arith.subi %div3A, %sub3A : i32
      %select_n3A = arith.select %and3A, %sub3A_100, %div3A : i32
      %jit3A_101 = arith.constant 8 : i32
      %eq3A = arith.constant 0 : i32
      %eq3A_102 = arith.cmpi eq, %jit3A_101, %eq3A : i32
      %jit3A_103 = arith.constant 1 : i32
      %select_n3A_104 = arith.select %eq3A_102, %jit3A_103, %jit3A_101 : i32
      %rem3A_105 = arith.remsi %scan3A_83, %select_n3A_104 : i32
      %ne3A_106 = arith.constant 0 : i32
      %ne3A_107 = arith.cmpi ne, %rem3A_105, %ne3A_106 : i32
      %lt3A = arith.constant 0 : i32
      %lt3A_108 = arith.cmpi slt, %rem3A_105, %lt3A : i32
      %lt3A_109 = arith.constant 0 : i32
      %lt3A_110 = arith.cmpi slt, %select_n3A_104, %lt3A_109 : i32
      %ne3A_111 = arith.xori %lt3A_108, %lt3A_110 : i1
      %and3A_112 = arith.andi %ne3A_111, %ne3A_107 : i1
      %add3A_113 = arith.addi %rem3A_105, %select_n3A_104 : i32
      %select_n3A_114 = arith.select %and3A_112, %add3A_113, %rem3A_105 : i32
      %mul3A_115 = arith.constant 16 : i32
      %mul3A_116 = arith.muli %select_n3A_114, %mul3A_115 : i32
      %swap3A = arith.index_cast %select_n3A : i32 to index
      %swap3A_117 = arith.index_cast %mul3A_116 : i32 to index
      %swap3A_118 = tpu.vector_load %arg8[%swap3A, %swap3A_117] {strides = array<i32>} : memref<104x128xf32, #tpu.memory_space<vmem>>, vector<1x16xf32>,
      %swap3A_119 = vector.shape_cast %swap3A_118 : vector<1x16xf32> to vector<16xf32>
      %swap3A_120 = vector.shape_cast %broadcast_in_dim3A_12 : vector<16xf32> to vector<1x16xf32>
      tpu.vector_store %arg8[%swap3A, %swap3A_117], %swap3A_120 {strides = array<i32>} : memref<104x128xf32, #tpu.memory_space<vmem>>, vector<1x16xf32>,
      %scan3A_121 = arith.constant 0 : i32
      scf.yield %scan3A_121 : i32
    }
    %scan3A_18 = arith.constant 832 : i32
    %scan3A_19 = arith.constant 0 : i32
    %scan3A_20 = arith.constant 0 : i32
    %scan3A_21 = arith.constant 6 : i32
    %scan3A_22 = arith.addi %scan3A_20, %scan3A_21 : i32
    %scan3A_23 = arith.constant 1 : i32
    %scan3A_24 = scf.for %scan3A_83 = %scan3A_20 to %scan3A_22 step %scan3A_23 iter_args(%scan3A_84 = %scan3A_19) -> (i32)  : i32 {
      %mul3A_85 = arith.constant 632 : i32
      %mul3A_86 = arith.muli %arg1, %mul3A_85 : i32
      %mul3A_87 = arith.constant 104 : i32
      %mul3A_88 = arith.muli %scan3A_83, %mul3A_87 : i32
      %add3A_89 = arith.addi %mul3A_86, %mul3A_88 : i32
      "tpu.region"() ({
        %run_scoped3A_91 = tpu.sem_alloc : memref<!tpu.dma_semaphore, #tpu.memory_space<semaphore_mem>>
        %dma_start3A_92 = arith.constant 0 : i32
        %dma_start3A_93 = tpu.memref_slice %arg10[%add3A_89, %dma_start3A_92] : memref<10112x128xf32, #tpu.memory_space<vmem_shared>> -> memref<104x128xf32, #tpu.memory_space<vmem_shared>>
        %dma_start3A_94 = arith.constant 0 : i32
        %dma_start3A_95 = tpu.memref_slice %arg10[%add3A_89, %dma_start3A_94] : memref<10112x128xf32, #tpu.memory_space<vmem_shared>> -> memref<104x128xf32, #tpu.memory_space<vmem_shared>>
        tpu.enqueue_dma source(%arg8 : memref<104x128xf32, #tpu.memory_space<vmem>>) target(%dma_start3A_95 : memref<104x128xf32, #tpu.memory_space<vmem_shared>>) target_semaphore(%run_scoped3A_91 : memref<!tpu.dma_semaphore, #tpu.memory_space<semaphore_mem>>)
        %dma_wait3A_96 = arith.constant 0 : i32
        %dma_wait3A_97 = tpu.memref_slice %arg10[%add3A_89, %dma_wait3A_96] : memref<10112x128xf32, #tpu.memory_space<vmem_shared>> -> memref<104x128xf32, #tpu.memory_space<vmem_shared>>
        %dma_wait3A_98 = arith.constant 0 : i32
        %dma_wait3A_99 = tpu.memref_slice %arg10[%add3A_89, %dma_wait3A_98] : memref<10112x128xf32, #tpu.memory_space<vmem_shared>> -> memref<104x128xf32, #tpu.memory_space<vmem_shared>>
        tpu.wait_dma2 semaphore(%run_scoped3A_91 : memref<!tpu.dma_semaphore, #tpu.memory_space<semaphore_mem>>) src(%arg8 : memref<104x128xf32, #tpu.memory_space<vmem>>) dst(%dma_wait3A_99 : memref<104x128xf32, #tpu.memory_space<vmem_shared>>)
        tpu.yield
      }) : () -> ()
      %scan3A_90 = arith.constant 0 : i32
      scf.yield %scan3A_90 : i32
    }
    %scan3A_25 = arith.constant 6 : i32
    %mul3A_26 = arith.constant 632 : i32
    %mul3A_27 = arith.muli %arg1, %mul3A_26 : i32
    %add3A_28 = arith.constant 624 : i32
    %add3A_29 = arith.addi %mul3A_27, %add3A_28 : i32
    "tpu.region"() ({
      %run_scoped3A_83 = tpu.sem_alloc : memref<!tpu.dma_semaphore, #tpu.memory_space<semaphore_mem>>
      %dma_start3A_84 = arith.constant 0 : i32
      %dma_start3A_85 = arith.constant 0 : i32
      %dma_start3A_86 = tpu.memref_slice %arg8[%dma_start3A_84, %dma_start3A_85] : memref<104x128xf32, #tpu.memory_space<vmem>> -> memref<8x128xf32, #tpu.memory_space<vmem>>
      %dma_start3A_87 = arith.constant 0 : i32
      %dma_start3A_88 = tpu.memref_slice %arg10[%add3A_29, %dma_start3A_87] : memref<10112x128xf32, #tpu.memory_space<vmem_shared>> -> memref<8x128xf32, #tpu.memory_space<vmem_shared>>
      %dma_start3A_89 = arith.constant 0 : i32
      %dma_start3A_90 = tpu.memref_slice %arg10[%add3A_29, %dma_start3A_89] : memref<10112x128xf32, #tpu.memory_space<vmem_shared>> -> memref<8x128xf32, #tpu.memory_space<vmem_shared>>
      %dma_start3A_91 = arith.constant 0 : i32
      %dma_start3A_92 = arith.constant 0 : i32
      %dma_start3A_93 = tpu.memref_slice %arg8[%dma_start3A_91, %dma_start3A_92] : memref<104x128xf32, #tpu.memory_space<vmem>> -> memref<8x128xf32, #tpu.memory_space<vmem>>
      tpu.enqueue_dma source(%dma_start3A_93 : memref<8x128xf32, #tpu.memory_space<vmem>>) target(%dma_start3A_90 : memref<8x128xf32, #tpu.memory_space<vmem_shared>>) target_semaphore(%run_scoped3A_83 : memref<!tpu.dma_semaphore, #tpu.memory_space<semaphore_mem>>)
      %dma_wait3A_94 = arith.constant 0 : i32
      %dma_wait3A_95 = arith.constant 0 : i32
      %dma_wait3A_96 = tpu.memref_slice %arg8[%dma_wait3A_94, %dma_wait3A_95] : memref<104x128xf32, #tpu.memory_space<vmem>> -> memref<8x128xf32, #tpu.memory_space<vmem>>
      %dma_wait3A_97 = arith.constant 0 : i32
      %dma_wait3A_98 = tpu.memref_slice %arg10[%add3A_29, %dma_wait3A_97] : memref<10112x128xf32, #tpu.memory_space<vmem_shared>> -> memref<8x128xf32, #tpu.memory_space<vmem_shared>>
      %dma_wait3A_99 = arith.constant 0 : i32
      %dma_wait3A_100 = tpu.memref_slice %arg10[%add3A_29, %dma_wait3A_99] : memref<10112x128xf32, #tpu.memory_space<vmem_shared>> -> memref<8x128xf32, #tpu.memory_space<vmem_shared>>
      %dma_wait3A_101 = arith.constant 0 : i32
      %dma_wait3A_102 = arith.constant 0 : i32
      %dma_wait3A_103 = tpu.memref_slice %arg8[%dma_wait3A_101, %dma_wait3A_102] : memref<104x128xf32, #tpu.memory_space<vmem>> -> memref<8x128xf32, #tpu.memory_space<vmem>>
      tpu.wait_dma2 semaphore(%run_scoped3A_83 : memref<!tpu.dma_semaphore, #tpu.memory_space<semaphore_mem>>) src(%dma_wait3A_103 : memref<8x128xf32, #tpu.memory_space<vmem>>) dst(%dma_wait3A_100 : memref<8x128xf32, #tpu.memory_space<vmem_shared>>)
      tpu.yield
    }) : () -> ()
    %mul3A_30 = arith.constant 10088 : i32
    %mul3A_31 = arith.muli %add3A, %mul3A_30 : i32
    %dma_wait3A = tpu.memref_slice %arg3[%mul3A_31] : memref<322816xi32, #tpu.memory_space<hbm>> -> memref<10088xi32, #tpu.memory_space<hbm>>
    %dma_wait3A_32 = tpu.memref_slice %arg3[%mul3A_31] : memref<322816xi32, #tpu.memory_space<hbm>> -> memref<10088xi32, #tpu.memory_space<hbm>>
    tpu.wait_dma2 semaphore(%arg11 : memref<!tpu.dma_semaphore, #tpu.memory_space<semaphore_mem>>) src(%dma_wait3A_32 : memref<10088xi32, #tpu.memory_space<hbm>>) dst(%arg6 : memref<10088xi32, #tpu.memory_space<vmem>>)
    %dma_wait3A_33 = arith.constant 0 : i32
    %dma_wait3A_34 = arith.constant 0 : i32
    %dma_wait3A_35 = tpu.memref_slice %arg4[%add3A, %dma_wait3A_33, %dma_wait3A_34] : memref<32x97x104xi32, #tpu.memory_space<hbm>> -> memref<1x97x104xi32, #tpu.memory_space<hbm>>
    %dma_wait3A_36 = tpu.memref_squeeze %dma_wait3A_35 : memref<1x97x104xi32, #tpu.memory_space<hbm>> -> memref<97x104xi32, #tpu.memory_space<hbm>>
    %dma_wait3A_37 = arith.constant 0 : i32
    %dma_wait3A_38 = arith.constant 0 : i32
    %dma_wait3A_39 = tpu.memref_slice %arg4[%add3A, %dma_wait3A_37, %dma_wait3A_38] : memref<32x97x104xi32, #tpu.memory_space<hbm>> -> memref<1x97x104xi32, #tpu.memory_space<hbm>>
    %dma_wait3A_40 = tpu.memref_squeeze %dma_wait3A_39 : memref<1x97x104xi32, #tpu.memory_space<hbm>> -> memref<97x104xi32, #tpu.memory_space<hbm>>
    tpu.wait_dma2 semaphore(%arg12 : memref<!tpu.dma_semaphore, #tpu.memory_space<semaphore_mem>>) src(%dma_wait3A_40 : memref<97x104xi32, #tpu.memory_space<hbm>>) dst(%arg7 : memref<97x104xi32, #tpu.memory_space<vmem>>)
    %barrier3A = arith.constant 0 : index
    tpu.barrier barrier_id(%barrier3A)
    %dma_start3A_41 = arith.constant 0 : i32
    %dma_start3A_42 = tpu.memref_slice %arg6[%dma_start3A_41] : memref<10088xi32, #tpu.memory_space<vmem>> -> memref<104xi32, #tpu.memory_space<vmem>>
    %dma_start3A_43 = arith.constant 0 : i32
    %dma_start3A_44 = arith.constant 0 : i32
    %dma_start3A_45 = tpu.memref_slice %arg2[%dma_start3A_43, %dma_start3A_44] : memref<10000x128xf32, #tpu.memory_space<hbm>> -> memref<10000x128xf32, #tpu.memory_space<hbm>>
    tpu.enqueue_indirect_dma source(%dma_start3A_45 : memref<10000x128xf32, #tpu.memory_space<hbm>>) target(%arg8 : memref<104x128xf32, #tpu.memory_space<vmem>>) offsets(%dma_start3A_42 : memref<104xi32, #tpu.memory_space<vmem>>) semaphore(%arg11 : memref<!tpu.dma_semaphore, #tpu.memory_space<semaphore_mem>>)
    %dma_start3A_46 = arith.constant 104 : i32
    %dma_start3A_47 = tpu.memref_slice %arg6[%dma_start3A_46] : memref<10088xi32, #tpu.memory_space<vmem>> -> memref<104xi32, #tpu.memory_space<vmem>>
    %dma_start3A_48 = arith.constant 0 : i32
    %dma_start3A_49 = arith.constant 0 : i32
    %dma_start3A_50 = tpu.memref_slice %arg2[%dma_start3A_48, %dma_start3A_49] : memref<10000x128xf32, #tpu.memory_space<hbm>> -> memref<10000x128xf32, #tpu.memory_space<hbm>>
    tpu.enqueue_indirect_dma source(%dma_start3A_50 : memref<10000x128xf32, #tpu.memory_space<hbm>>) target(%arg9 : memref<104x128xf32, #tpu.memory_space<vmem>>) offsets(%dma_start3A_47 : memref<104xi32, #tpu.memory_space<vmem>>) semaphore(%arg12 : memref<!tpu.dma_semaphore, #tpu.memory_space<semaphore_mem>>)
    %scan3A_51 = arith.constant 0 : i32
    %scan3A_52 = arith.constant 0 : i32
    %scan3A_53 = arith.constant 47 : i32
    %scan3A_54 = arith.addi %scan3A_52, %scan3A_53 : i32
    %scan3A_55 = arith.constant 1 : i32
    %scan3A_56 = scf.for %scan3A_83 = %scan3A_52 to %scan3A_54 step %scan3A_55 iter_args(%scan3A_84 = %scan3A_51) -> (i32)  : i32 {
      %mul3A_85 = arith.constant 2 : i32
      %mul3A_86 = arith.muli %mul3A_85, %scan3A_83 : i32
      %mul3A_87 = arith.constant 104 : i32
      %mul3A_88 = arith.muli %mul3A_86, %mul3A_87 : i32
      %dma_wait3A_89 = tpu.memref_slice %arg6[%mul3A_88] : memref<10088xi32, #tpu.memory_space<vmem>> -> memref<104xi32, #tpu.memory_space<vmem>>
      %dma_wait3A_90 = arith.constant 0 : i32
      %dma_wait3A_91 = arith.constant 0 : i32
      %dma_wait3A_92 = tpu.memref_slice %arg2[%dma_wait3A_90, %dma_wait3A_91] : memref<10000x128xf32, #tpu.memory_space<hbm>> -> memref<10000x128xf32, #tpu.memory_space<hbm>>
      tpu.wait_indirect_dma semaphore(%arg11 : memref<!tpu.dma_semaphore, #tpu.memory_space<semaphore_mem>>) src(%dma_wait3A_92 : memref<10000x128xf32, #tpu.memory_space<hbm>>) dst(%arg8 : memref<104x128xf32, #tpu.memory_space<vmem>>)
      "tpu.region"() ({
        %run_scoped3A_120 = tpu.sem_alloc : memref<!tpu.dma_semaphore, #tpu.memory_space<semaphore_mem>>
        %dma_start3A_121 = arith.constant 0 : i32
        %dma_start3A_122 = tpu.memref_slice %arg7[%mul3A_86, %dma_start3A_121] : memref<97x104xi32, #tpu.memory_space<vmem>> -> memref<1x104xi32, #tpu.memory_space<vmem>>
        %dma_start3A_123 = tpu.memref_squeeze %dma_start3A_122 : memref<1x104xi32, #tpu.memory_space<vmem>> -> memref<104xi32, #tpu.memory_space<vmem>>
        %dma_start3A_124 = arith.constant 0 : i32
        %dma_start3A_125 = arith.constant 0 : i32
        %dma_start3A_126 = tpu.memref_slice %arg10[%dma_start3A_124, %dma_start3A_125] : memref<10112x128xf32, #tpu.memory_space<vmem_shared>> -> memref<10112x128xf32, #tpu.memory_space<vmem_shared>>
        tpu.enqueue_indirect_dma source(%arg8 : memref<104x128xf32, #tpu.memory_space<vmem>>) target(%dma_start3A_126 : memref<10112x128xf32, #tpu.memory_space<vmem_shared>>) offsets(%dma_start3A_123 : memref<104xi32, #tpu.memory_space<vmem>>) semaphore(%run_scoped3A_120 : memref<!tpu.dma_semaphore, #tpu.memory_space<semaphore_mem>>) {add = true}
        %dma_wait3A_127 = arith.constant 0 : i32
        %dma_wait3A_128 = tpu.memref_slice %arg7[%mul3A_86, %dma_wait3A_127] : memref<97x104xi32, #tpu.memory_space<vmem>> -> memref<1x104xi32, #tpu.memory_space<vmem>>
        %dma_wait3A_129 = tpu.memref_squeeze %dma_wait3A_128 : memref<1x104xi32, #tpu.memory_space<vmem>> -> memref<104xi32, #tpu.memory_space<vmem>>
        %dma_wait3A_130 = arith.constant 0 : i32
        %dma_wait3A_131 = arith.constant 0 : i32
        %dma_wait3A_132 = tpu.memref_slice %arg10[%dma_wait3A_130, %dma_wait3A_131] : memref<10112x128xf32, #tpu.memory_space<vmem_shared>> -> memref<10112x128xf32, #tpu.memory_space<vmem_shared>>
        tpu.wait_indirect_dma semaphore(%run_scoped3A_120 : memref<!tpu.dma_semaphore, #tpu.memory_space<semaphore_mem>>) src(%arg8 : memref<104x128xf32, #tpu.memory_space<vmem>>) dst(%dma_wait3A_132 : memref<10112x128xf32, #tpu.memory_space<vmem_shared>>)
        tpu.yield
      }) : () -> ()
      %add3A_93 = arith.constant 2 : i32
      %add3A_94 = arith.addi %mul3A_86, %add3A_93 : i32
      %mul3A_95 = arith.constant 104 : i32
      %mul3A_96 = arith.muli %add3A_94, %mul3A_95 : i32
      %dma_start3A_97 = tpu.memref_slice %arg6[%mul3A_96] : memref<10088xi32, #tpu.memory_space<vmem>> -> memref<104xi32, #tpu.memory_space<vmem>>
      %dma_start3A_98 = arith.constant 0 : i32
      %dma_start3A_99 = arith.constant 0 : i32
      %dma_start3A_100 = tpu.memref_slice %arg2[%dma_start3A_98, %dma_start3A_99] : memref<10000x128xf32, #tpu.memory_space<hbm>> -> memref<10000x128xf32, #tpu.memory_space<hbm>>
      tpu.enqueue_indirect_dma source(%dma_start3A_100 : memref<10000x128xf32, #tpu.memory_space<hbm>>) target(%arg8 : memref<104x128xf32, #tpu.memory_space<vmem>>) offsets(%dma_start3A_97 : memref<104xi32, #tpu.memory_space<vmem>>) semaphore(%arg11 : memref<!tpu.dma_semaphore, #tpu.memory_space<semaphore_mem>>)
      %add3A_101 = arith.constant 1 : i32
      %add3A_102 = arith.addi %mul3A_86, %add3A_101 : i32
      %mul3A_103 = arith.constant 104 : i32
      %mul3A_104 = arith.muli %add3A_102, %mul3A_103 : i32
      %dma_wait3A_105 = tpu.memref_slice %arg6[%mul3A_104] : memref<10088xi32, #tpu.memory_space<vmem>> -> memref<104xi32, #tpu.memory_space<vmem>>
      %dma_wait3A_106 = arith.constant 0 : i32
      %dma_wait3A_107 = arith.constant 0 : i32
      %dma_wait3A_108 = tpu.memref_slice %arg2[%dma_wait3A_106, %dma_wait3A_107] : memref<10000x128xf32, #tpu.memory_space<hbm>> -> memref<10000x128xf32, #tpu.memory_space<hbm>>
      tpu.wait_indirect_dma semaphore(%arg12 : memref<!tpu.dma_semaphore, #tpu.memory_space<semaphore_mem>>) src(%dma_wait3A_108 : memref<10000x128xf32, #tpu.memory_space<hbm>>) dst(%arg9 : memref<104x128xf32, #tpu.memory_space<vmem>>)
      %add3A_109 = arith.constant 1 : i32
      %add3A_110 = arith.addi %mul3A_86, %add3A_109 : i32
      "tpu.region"() ({
        %run_scoped3A_120 = tpu.sem_alloc : memref<!tpu.dma_semaphore, #tpu.memory_space<semaphore_mem>>
        %dma_start3A_121 = arith.constant 0 : i32
        %dma_start3A_122 = tpu.memref_slice %arg7[%add3A_110, %dma_start3A_121] : memref<97x104xi32, #tpu.memory_space<vmem>> -> memref<1x104xi32, #tpu.memory_space<vmem>>
        %dma_start3A_123 = tpu.memref_squeeze %dma_start3A_122 : memref<1x104xi32, #tpu.memory_space<vmem>> -> memref<104xi32, #tpu.memory_space<vmem>>
        %dma_start3A_124 = arith.constant 0 : i32
        %dma_start3A_125 = arith.constant 0 : i32
        %dma_start3A_126 = tpu.memref_slice %arg10[%dma_start3A_124, %dma_start3A_125] : memref<10112x128xf32, #tpu.memory_space<vmem_shared>> -> memref<10112x128xf32, #tpu.memory_space<vmem_shared>>
        tpu.enqueue_indirect_dma source(%arg9 : memref<104x128xf32, #tpu.memory_space<vmem>>) target(%dma_start3A_126 : memref<10112x128xf32, #tpu.memory_space<vmem_shared>>) offsets(%dma_start3A_123 : memref<104xi32, #tpu.memory_space<vmem>>) semaphore(%run_scoped3A_120 : memref<!tpu.dma_semaphore, #tpu.memory_space<semaphore_mem>>) {add = true}
        %dma_wait3A_127 = arith.constant 0 : i32
        %dma_wait3A_128 = tpu.memref_slice %arg7[%add3A_110, %dma_wait3A_127] : memref<97x104xi32, #tpu.memory_space<vmem>> -> memref<1x104xi32, #tpu.memory_space<vmem>>
        %dma_wait3A_129 = tpu.memref_squeeze %dma_wait3A_128 : memref<1x104xi32, #tpu.memory_space<vmem>> -> memref<104xi32, #tpu.memory_space<vmem>>
        %dma_wait3A_130 = arith.constant 0 : i32
        %dma_wait3A_131 = arith.constant 0 : i32
        %dma_wait3A_132 = tpu.memref_slice %arg10[%dma_wait3A_130, %dma_wait3A_131] : memref<10112x128xf32, #tpu.memory_space<vmem_shared>> -> memref<10112x128xf32, #tpu.memory_space<vmem_shared>>
        tpu.wait_indirect_dma semaphore(%run_scoped3A_120 : memref<!tpu.dma_semaphore, #tpu.memory_space<semaphore_mem>>) src(%arg9 : memref<104x128xf32, #tpu.memory_space<vmem>>) dst(%dma_wait3A_132 : memref<10112x128xf32, #tpu.memory_space<vmem_shared>>)
        tpu.yield
      }) : () -> ()
      %add3A_111 = arith.constant 3 : i32
      %add3A_112 = arith.addi %mul3A_86, %add3A_111 : i32
      %mul3A_113 = arith.constant 104 : i32
      %mul3A_114 = arith.muli %add3A_112, %mul3A_113 : i32
      %dma_start3A_115 = tpu.memref_slice %arg6[%mul3A_114] : memref<10088xi32, #tpu.memory_space<vmem>> -> memref<104xi32, #tpu.memory_space<vmem>>
      %dma_start3A_116 = arith.constant 0 : i32
      %dma_start3A_117 = arith.constant 0 : i32
      %dma_start3A_118 = tpu.memref_slice %arg2[%dma_start3A_116, %dma_start3A_117] : memref<10000x128xf32, #tpu.memory_space<hbm>> -> memref<10000x128xf32, #tpu.memory_space<hbm>>
      tpu.enqueue_indirect_dma source(%dma_start3A_118 : memref<10000x128xf32, #tpu.memory_space<hbm>>) target(%arg9 : memref<104x128xf32, #tpu.memory_space<vmem>>) offsets(%dma_start3A_115 : memref<104xi32, #tpu.memory_space<vmem>>) semaphore(%arg12 : memref<!tpu.dma_semaphore, #tpu.memory_space<semaphore_mem>>)
      %scan3A_119 = arith.constant 0 : i32
      scf.yield %scan3A_119 : i32
    }
    %scan3A_57 = arith.constant 47 : i32
    %dma_wait3A_58 = arith.constant 9776 : i32
    %dma_wait3A_59 = tpu.memref_slice %arg6[%dma_wait3A_58] : memref<10088xi32, #tpu.memory_space<vmem>> -> memref<104xi32, #tpu.memory_space<vmem>>
    %dma_wait3A_60 = arith.constant 0 : i32
    %dma_wait3A_61 = arith.constant 0 : i32
    %dma_wait3A_62 = tpu.memref_slice %arg2[%dma_wait3A_60, %dma_wait3A_61] : memref<10000x128xf32, #tpu.memory_space<hbm>> -> memref<10000x128xf32, #tpu.memory_space<hbm>>
    tpu.wait_indirect_dma semaphore(%arg11 : memref<!tpu.dma_semaphore, #tpu.memory_space<semaphore_mem>>) src(%dma_wait3A_62 : memref<10000x128xf32, #tpu.memory_space<hbm>>) dst(%arg8 : memref<104x128xf32, #tpu.memory_space<vmem>>)
    %run_scoped3A = arith.constant 94 : i32
    "tpu.region"() ({
      %run_scoped3A_83 = tpu.sem_alloc : memref<!tpu.dma_semaphore, #tpu.memory_space<semaphore_mem>>
      %dma_start3A_84 = arith.constant 0 : i32
      %dma_start3A_85 = tpu.memref_slice %arg7[%run_scoped3A, %dma_start3A_84] : memref<97x104xi32, #tpu.memory_space<vmem>> -> memref<1x104xi32, #tpu.memory_space<vmem>>
      %dma_start3A_86 = tpu.memref_squeeze %dma_start3A_85 : memref<1x104xi32, #tpu.memory_space<vmem>> -> memref<104xi32, #tpu.memory_space<vmem>>
      %dma_start3A_87 = arith.constant 0 : i32
      %dma_start3A_88 = arith.constant 0 : i32
      %dma_start3A_89 = tpu.memref_slice %arg10[%dma_start3A_87, %dma_start3A_88] : memref<10112x128xf32, #tpu.memory_space<vmem_shared>> -> memref<10112x128xf32, #tpu.memory_space<vmem_shared>>
      tpu.enqueue_indirect_dma source(%arg8 : memref<104x128xf32, #tpu.memory_space<vmem>>) target(%dma_start3A_89 : memref<10112x128xf32, #tpu.memory_space<vmem_shared>>) offsets(%dma_start3A_86 : memref<104xi32, #tpu.memory_space<vmem>>) semaphore(%run_scoped3A_83 : memref<!tpu.dma_semaphore, #tpu.memory_space<semaphore_mem>>) {add = true}
      %dma_wait3A_90 = arith.constant 0 : i32
      %dma_wait3A_91 = tpu.memref_slice %arg7[%run_scoped3A, %dma_wait3A_90] : memref<97x104xi32, #tpu.memory_space<vmem>> -> memref<1x104xi32, #tpu.memory_space<vmem>>
      %dma_wait3A_92 = tpu.memref_squeeze %dma_wait3A_91 : memref<1x104xi32, #tpu.memory_space<vmem>> -> memref<104xi32, #tpu.memory_space<vmem>>
      %dma_wait3A_93 = arith.constant 0 : i32
      %dma_wait3A_94 = arith.constant 0 : i32
      %dma_wait3A_95 = tpu.memref_slice %arg10[%dma_wait3A_93, %dma_wait3A_94] : memref<10112x128xf32, #tpu.memory_space<vmem_shared>> -> memref<10112x128xf32, #tpu.memory_space<vmem_shared>>
      tpu.wait_indirect_dma semaphore(%run_scoped3A_83 : memref<!tpu.dma_semaphore, #tpu.memory_space<semaphore_mem>>) src(%arg8 : memref<104x128xf32, #tpu.memory_space<vmem>>) dst(%dma_wait3A_95 : memref<10112x128xf32, #tpu.memory_space<vmem_shared>>)
      tpu.yield
    }) : () -> ()
    %dma_start3A_63 = arith.constant 9984 : i32
    %dma_start3A_64 = tpu.memref_slice %arg6[%dma_start3A_63] : memref<10088xi32, #tpu.memory_space<vmem>> -> memref<104xi32, #tpu.memory_space<vmem>>
    %dma_start3A_65 = arith.constant 0 : i32
    %dma_start3A_66 = arith.constant 0 : i32
    %dma_start3A_67 = tpu.memref_slice %arg2[%dma_start3A_65, %dma_start3A_66] : memref<10000x128xf32, #tpu.memory_space<hbm>> -> memref<10000x128xf32, #tpu.memory_space<hbm>>
    tpu.enqueue_indirect_dma source(%dma_start3A_67 : memref<10000x128xf32, #tpu.memory_space<hbm>>) target(%arg8 : memref<104x128xf32, #tpu.memory_space<vmem>>) offsets(%dma_start3A_64 : memref<104xi32, #tpu.memory_space<vmem>>) semaphore(%arg11 : memref<!tpu.dma_semaphore, #tpu.memory_space<semaphore_mem>>)
    %dma_wait3A_68 = arith.constant 9880 : i32
    %dma_wait3A_69 = tpu.memref_slice %arg6[%dma_wait3A_68] : memref<10088xi32, #tpu.memory_space<vmem>> -> memref<104xi32, #tpu.memory_space<vmem>>
    %dma_wait3A_70 = arith.constant 0 : i32
    %dma_wait3A_71 = arith.constant 0 : i32
    %dma_wait3A_72 = tpu.memref_slice %arg2[%dma_wait3A_70, %dma_wait3A_71] : memref<10000x128xf32, #tpu.memory_space<hbm>> -> memref<10000x128xf32, #tpu.memory_space<hbm>>
    tpu.wait_indirect_dma semaphore(%arg12 : memref<!tpu.dma_semaphore, #tpu.memory_space<semaphore_mem>>) src(%dma_wait3A_72 : memref<10000x128xf32, #tpu.memory_space<hbm>>) dst(%arg9 : memref<104x128xf32, #tpu.memory_space<vmem>>)
    %run_scoped3A_73 = arith.constant 95 : i32
    "tpu.region"() ({
      %run_scoped3A_83 = tpu.sem_alloc : memref<!tpu.dma_semaphore, #tpu.memory_space<semaphore_mem>>
      %dma_start3A_84 = arith.constant 0 : i32
      %dma_start3A_85 = tpu.memref_slice %arg7[%run_scoped3A_73, %dma_start3A_84] : memref<97x104xi32, #tpu.memory_space<vmem>> -> memref<1x104xi32, #tpu.memory_space<vmem>>
      %dma_start3A_86 = tpu.memref_squeeze %dma_start3A_85 : memref<1x104xi32, #tpu.memory_space<vmem>> -> memref<104xi32, #tpu.memory_space<vmem>>
      %dma_start3A_87 = arith.constant 0 : i32
      %dma_start3A_88 = arith.constant 0 : i32
      %dma_start3A_89 = tpu.memref_slice %arg10[%dma_start3A_87, %dma_start3A_88] : memref<10112x128xf32, #tpu.memory_space<vmem_shared>> -> memref<10112x128xf32, #tpu.memory_space<vmem_shared>>
      tpu.enqueue_indirect_dma source(%arg9 : memref<104x128xf32, #tpu.memory_space<vmem>>) target(%dma_start3A_89 : memref<10112x128xf32, #tpu.memory_space<vmem_shared>>) offsets(%dma_start3A_86 : memref<104xi32, #tpu.memory_space<vmem>>) semaphore(%run_scoped3A_83 : memref<!tpu.dma_semaphore, #tpu.memory_space<semaphore_mem>>) {add = true}
      %dma_wait3A_90 = arith.constant 0 : i32
      %dma_wait3A_91 = tpu.memref_slice %arg7[%run_scoped3A_73, %dma_wait3A_90] : memref<97x104xi32, #tpu.memory_space<vmem>> -> memref<1x104xi32, #tpu.memory_space<vmem>>
      %dma_wait3A_92 = tpu.memref_squeeze %dma_wait3A_91 : memref<1x104xi32, #tpu.memory_space<vmem>> -> memref<104xi32, #tpu.memory_space<vmem>>
      %dma_wait3A_93 = arith.constant 0 : i32
      %dma_wait3A_94 = arith.constant 0 : i32
      %dma_wait3A_95 = tpu.memref_slice %arg10[%dma_wait3A_93, %dma_wait3A_94] : memref<10112x128xf32, #tpu.memory_space<vmem_shared>> -> memref<10112x128xf32, #tpu.memory_space<vmem_shared>>
      tpu.wait_indirect_dma semaphore(%run_scoped3A_83 : memref<!tpu.dma_semaphore, #tpu.memory_space<semaphore_mem>>) src(%arg9 : memref<104x128xf32, #tpu.memory_space<vmem>>) dst(%dma_wait3A_95 : memref<10112x128xf32, #tpu.memory_space<vmem_shared>>)
      tpu.yield
    }) : () -> ()
    %dma_wait3A_74 = arith.constant 9984 : i32
    %dma_wait3A_75 = tpu.memref_slice %arg6[%dma_wait3A_74] : memref<10088xi32, #tpu.memory_space<vmem>> -> memref<104xi32, #tpu.memory_space<vmem>>
    %dma_wait3A_76 = arith.constant 0 : i32
    %dma_wait3A_77 = arith.constant 0 : i32
    %dma_wait3A_78 = tpu.memref_slice %arg2[%dma_wait3A_76, %dma_wait3A_77] : memref<10000x128xf32, #tpu.memory_space<hbm>> -> memref<10000x128xf32, #tpu.memory_space<hbm>>
    tpu.wait_indirect_dma semaphore(%arg11 : memref<!tpu.dma_semaphore, #tpu.memory_space<semaphore_mem>>) src(%dma_wait3A_78 : memref<10000x128xf32, #tpu.memory_space<hbm>>) dst(%arg8 : memref<104x128xf32, #tpu.memory_space<vmem>>)
    %run_scoped3A_79 = arith.constant 96 : i32
    "tpu.region"() ({
      %run_scoped3A_83 = tpu.sem_alloc : memref<!tpu.dma_semaphore, #tpu.memory_space<semaphore_mem>>
      %dma_start3A_84 = arith.constant 0 : i32
      %dma_start3A_85 = tpu.memref_slice %arg7[%run_scoped3A_79, %dma_start3A_84] : memref<97x104xi32, #tpu.memory_space<vmem>> -> memref<1x104xi32, #tpu.memory_space<vmem>>
      %dma_start3A_86 = tpu.memref_squeeze %dma_start3A_85 : memref<1x104xi32, #tpu.memory_space<vmem>> -> memref<104xi32, #tpu.memory_space<vmem>>
      %dma_start3A_87 = arith.constant 0 : i32
      %dma_start3A_88 = arith.constant 0 : i32
      %dma_start3A_89 = tpu.memref_slice %arg10[%dma_start3A_87, %dma_start3A_88] : memref<10112x128xf32, #tpu.memory_space<vmem_shared>> -> memref<10112x128xf32, #tpu.memory_space<vmem_shared>>
      tpu.enqueue_indirect_dma source(%arg8 : memref<104x128xf32, #tpu.memory_space<vmem>>) target(%dma_start3A_89 : memref<10112x128xf32, #tpu.memory_space<vmem_shared>>) offsets(%dma_start3A_86 : memref<104xi32, #tpu.memory_space<vmem>>) semaphore(%run_scoped3A_83 : memref<!tpu.dma_semaphore, #tpu.memory_space<semaphore_mem>>) {add = true}
      %dma_wait3A_90 = arith.constant 0 : i32
      %dma_wait3A_91 = tpu.memref_slice %arg7[%run_scoped3A_79, %dma_wait3A_90] : memref<97x104xi32, #tpu.memory_space<vmem>> -> memref<1x104xi32, #tpu.memory_space<vmem>>
      %dma_wait3A_92 = tpu.memref_squeeze %dma_wait3A_91 : memref<1x104xi32, #tpu.memory_space<vmem>> -> memref<104xi32, #tpu.memory_space<vmem>>
      %dma_wait3A_93 = arith.constant 0 : i32
      %dma_wait3A_94 = arith.constant 0 : i32
      %dma_wait3A_95 = tpu.memref_slice %arg10[%dma_wait3A_93, %dma_wait3A_94] : memref<10112x128xf32, #tpu.memory_space<vmem_shared>> -> memref<10112x128xf32, #tpu.memory_space<vmem_shared>>
      tpu.wait_indirect_dma semaphore(%run_scoped3A_83 : memref<!tpu.dma_semaphore, #tpu.memory_space<semaphore_mem>>) src(%arg8 : memref<104x128xf32, #tpu.memory_space<vmem>>) dst(%dma_wait3A_95 : memref<10112x128xf32, #tpu.memory_space<vmem_shared>>)
      tpu.yield
    }) : () -> ()
    %barrier3A_80 = arith.constant 0 : index
    tpu.barrier barrier_id(%barrier3A_80)
    %mul3A_81 = arith.constant 632 : i32
    %mul3A_82 = arith.muli %arg1, %mul3A_81 : i32
    "tpu.region"() ({
      %run_scoped3A_83 = tpu.sem_alloc : memref<!tpu.dma_semaphore, #tpu.memory_space<semaphore_mem>>
      %dma_start3A_84 = arith.constant 0 : i32
      %dma_start3A_85 = tpu.memref_slice %arg5[%arg0, %mul3A_82, %dma_start3A_84] : memref<2x10112x128xf32, #tpu.memory_space<hbm>> -> memref<1x632x128xf32, #tpu.memory_space<hbm>>
      %dma_start3A_86 = tpu.memref_squeeze %dma_start3A_85 : memref<1x632x128xf32, #tpu.memory_space<hbm>> -> memref<632x128xf32, #tpu.memory_space<hbm>>
      %dma_start3A_87 = arith.constant 0 : i32
      %dma_start3A_88 = tpu.memref_slice %arg10[%mul3A_82, %dma_start3A_87] : memref<10112x128xf32, #tpu.memory_space<vmem_shared>> -> memref<632x128xf32, #tpu.memory_space<vmem_shared>>
      tpu.enqueue_dma source(%dma_start3A_88 : memref<632x128xf32, #tpu.memory_space<vmem_shared>>) target(%dma_start3A_86 : memref<632x128xf32, #tpu.memory_space<hbm>>) target_semaphore(%run_scoped3A_83 : memref<!tpu.dma_semaphore, #tpu.memory_space<semaphore_mem>>)
      %dma_wait3A_89 = arith.constant 0 : i32
      %dma_wait3A_90 = tpu.memref_slice %arg5[%arg0, %mul3A_82, %dma_wait3A_89] : memref<2x10112x128xf32, #tpu.memory_space<hbm>> -> memref<1x632x128xf32, #tpu.memory_space<hbm>>
      %dma_wait3A_91 = tpu.memref_squeeze %dma_wait3A_90 : memref<1x632x128xf32, #tpu.memory_space<hbm>> -> memref<632x128xf32, #tpu.memory_space<hbm>>
      %dma_wait3A_92 = arith.constant 0 : i32
      %dma_wait3A_93 = tpu.memref_slice %arg10[%mul3A_82, %dma_wait3A_92] : memref<10112x128xf32, #tpu.memory_space<vmem_shared>> -> memref<632x128xf32, #tpu.memory_space<vmem_shared>>
      tpu.wait_dma2 semaphore(%run_scoped3A_83 : memref<!tpu.dma_semaphore, #tpu.memory_space<semaphore_mem>>) src(%dma_wait3A_93 : memref<632x128xf32, #tpu.memory_space<vmem_shared>>) dst(%dma_wait3A_91 : memref<632x128xf32, #tpu.memory_space<hbm>>)
      tpu.yield
    }) : () -> ()
    return
  }
}

module attributes {stable_mosaic.version = 14 : i64} {
  func.func @_mlp_body(%arg0: i32, %arg1: memref<2000x128xf32, #tpu.memory_space<vmem>>, %arg2: memref<2x2000x128xf32, #tpu.memory_space<vmem>>, %arg3: memref<128x128xf32, #tpu.memory_space<vmem>>, %arg4: memref<1x128xf32, #tpu.memory_space<vmem>>, %arg5: memref<128x128xf32, #tpu.memory_space<vmem>>, %arg6: memref<1x128xf32, #tpu.memory_space<vmem>>, %arg7: memref<2000x128xf32, #tpu.memory_space<vmem>>) attributes {dimension_semantics = [#tpu.dimension_semantics<arbitrary>], iteration_bounds = array<i64: 5>, scalar_prefetch = 0 : i64, scratch_operands = 0 : i64, tpu.core_type = #tpu.core_type<tc>, window_params = [{transform_indices = @transform_0, window_bounds = array<i64: 2000, 128>}, {transform_indices = @transform_1, window_bounds = array<i64: 2, 2000, 128>}, {pipeline_mode = #tpu.pipeline_mode<synchronous>, transform_indices = @transform_2, window_bounds = array<i64: 128, 128>}, {pipeline_mode = #tpu.pipeline_mode<synchronous>, transform_indices = @transform_3, window_bounds = array<i64: 1, 128>}, {pipeline_mode = #tpu.pipeline_mode<synchronous>, transform_indices = @transform_4, window_bounds = array<i64: 128, 128>}, {pipeline_mode = #tpu.pipeline_mode<synchronous>, transform_indices = @transform_5, window_bounds = array<i64: 1, 128>}, {transform_indices = @transform_6, window_bounds = array<i64: 2000, 128>}]} {
    %get3A = arith.constant 0 : index
    %get3A_0 = arith.constant 0 : index
    %get3A_1 = vector.load %arg1[%get3A, %get3A_0] : memref<2000x128xf32, #tpu.memory_space<vmem>>, vector<2000x128xf32>
    %get3A_2 = arith.constant 0 : index
    %get3A_3 = arith.constant 0 : index
    %get3A_4 = arith.constant 0 : index
    %get3A_5 = vector.load %arg2[%get3A_2, %get3A_3, %get3A_4] : memref<2x2000x128xf32, #tpu.memory_space<vmem>>, vector<1x2000x128xf32>
    %get3A_6 = vector.shape_cast %get3A_5 : vector<1x2000x128xf32> to vector<2000x128xf32>
    %add3A = arith.addf %get3A_1, %get3A_6 : vector<2000x128xf32>
    %get3A_7 = arith.constant 1 : index
    %get3A_8 = arith.constant 0 : index
    %get3A_9 = arith.constant 0 : index
    %get3A_10 = vector.load %arg2[%get3A_7, %get3A_8, %get3A_9] : memref<2x2000x128xf32, #tpu.memory_space<vmem>>, vector<1x2000x128xf32>
    %get3A_11 = vector.shape_cast %get3A_10 : vector<1x2000x128xf32> to vector<2000x128xf32>
    %add3A_12 = arith.addf %add3A, %get3A_11 : vector<2000x128xf32>
    %get3A_13 = arith.constant 0 : index
    %get3A_14 = arith.constant 0 : index
    %get3A_15 = vector.load %arg3[%get3A_13, %get3A_14] : memref<128x128xf32, #tpu.memory_space<vmem>>, vector<128x128xf32>
    %dot_general3A = arith.constant dense<0.000000e+00> : vector<2000x128xf32>
    %dot_general3A_16 = tpu.matmul %add3A_12, %get3A_15, %dot_general3A {dimension_numbers = #tpu.dot_dimension_numbers<[1], [0], [0], [1], [0, 0, 1, 1], [], []>, transpose_lhs_hint = false} : vector<2000x128xf32>, vector<128x128xf32>, vector<2000x128xf32> -> vector<2000x128xf32>
    %get3A_17 = arith.constant 0 : index
    %get3A_18 = arith.constant 0 : index
    %get3A_19 = vector.load %arg4[%get3A_17, %get3A_18] : memref<1x128xf32, #tpu.memory_space<vmem>>, vector<1x128xf32>
    %add3A_20 = vector.broadcast %get3A_19 : vector<1x128xf32> to vector<2000x128xf32>
    %add3A_21 = arith.addf %dot_general3A_16, %add3A_20 : vector<2000x128xf32>
    %max3A = arith.constant 0.000000e+00 : f32
    %max3A_22 = vector.broadcast %max3A : f32 to vector<2000x128xf32>
    %max3A_23 = arith.maximumf %add3A_21, %max3A_22 : vector<2000x128xf32>
    %get3A_24 = arith.constant 0 : index
    %get3A_25 = arith.constant 0 : index
    %get3A_26 = vector.load %arg5[%get3A_24, %get3A_25] : memref<128x128xf32, #tpu.memory_space<vmem>>, vector<128x128xf32>
    %dot_general3A_27 = arith.constant dense<0.000000e+00> : vector<2000x128xf32>
    %dot_general3A_28 = tpu.matmul %max3A_23, %get3A_26, %dot_general3A_27 {dimension_numbers = #tpu.dot_dimension_numbers<[1], [0], [0], [1], [0, 0, 1, 1], [], []>, transpose_lhs_hint = false} : vector<2000x128xf32>, vector<128x128xf32>, vector<2000x128xf32> -> vector<2000x128xf32>
    %get3A_29 = arith.constant 0 : index
    %get3A_30 = arith.constant 0 : index
    %get3A_31 = vector.load %arg6[%get3A_29, %get3A_30] : memref<1x128xf32, #tpu.memory_space<vmem>>, vector<1x128xf32>
    %add3A_32 = vector.broadcast %get3A_31 : vector<1x128xf32> to vector<2000x128xf32>
    %add3A_33 = arith.addf %dot_general3A_28, %add3A_32 : vector<2000x128xf32>
    %max3A_34 = arith.constant 0.000000e+00 : f32
    %max3A_35 = vector.broadcast %max3A_34 : f32 to vector<2000x128xf32>
    %max3A_36 = arith.maximumf %add3A_33, %max3A_35 : vector<2000x128xf32>
    %swap3A = arith.constant 0 : index
    %swap3A_37 = arith.constant 0 : index
    %swap3A_38 = vector.load %arg7[%swap3A, %swap3A_37] : memref<2000x128xf32, #tpu.memory_space<vmem>>, vector<2000x128xf32>
    tpu.vector_store %arg7[%swap3A, %swap3A_37], %max3A_36 {strides = array<i32>} : memref<2000x128xf32, #tpu.memory_space<vmem>>, vector<2000x128xf32>,
    return
  }
  func.func @transform_0(%arg0: i32) -> (i32, i32) {
    %c0_i32 = arith.constant 0 : i32
    %c0_i32_0 = arith.constant 0 : i32
    return %arg0, %c0_i32 : i32, i32
  }
  func.func @transform_1(%arg0: i32) -> (i32, i32, i32) {
    %c0_i32 = arith.constant 0 : i32
    %c0_i32_0 = arith.constant 0 : i32
    %c0_i32_1 = arith.constant 0 : i32
    return %c0_i32, %arg0, %c0_i32_0 : i32, i32, i32
  }
  func.func @transform_2(%arg0: i32) -> (i32, i32) {
    %c0_i32 = arith.constant 0 : i32
    %c0_i32_0 = arith.constant 0 : i32
    %c0_i32_1 = arith.constant 0 : i32
    return %c0_i32, %c0_i32_0 : i32, i32
  }
  func.func @transform_3(%arg0: i32) -> (i32, i32) {
    %c0_i32 = arith.constant 0 : i32
    %c0_i32_0 = arith.constant 0 : i32
    %c0_i32_1 = arith.constant 0 : i32
    return %c0_i32, %c0_i32_0 : i32, i32
  }
  func.func @transform_4(%arg0: i32) -> (i32, i32) {
    %c0_i32 = arith.constant 0 : i32
    %c0_i32_0 = arith.constant 0 : i32
    %c0_i32_1 = arith.constant 0 : i32
    return %c0_i32, %c0_i32_0 : i32, i32
  }
  func.func @transform_5(%arg0: i32) -> (i32, i32) {
    %c0_i32 = arith.constant 0 : i32
    %c0_i32_0 = arith.constant 0 : i32
    %c0_i32_1 = arith.constant 0 : i32
    return %c0_i32, %c0_i32_0 : i32, i32
  }
  func.func @transform_6(%arg0: i32) -> (i32, i32) {
    %c0_i32 = arith.constant 0 : i32
    %c0_i32_0 = arith.constant 0 : i32
    return %arg0, %c0_i32 : i32, i32
  }
}

module attributes {stable_mosaic.version = 14 : i64} {
  func.func @_mlp_body(%arg0: i32, %arg1: memref<2000x128xf32, #tpu.memory_space<vmem>>, %arg2: memref<2x2000x128xf32, #tpu.memory_space<vmem>>, %arg3: memref<128x128xf32, #tpu.memory_space<vmem>>, %arg4: memref<1x128xf32, #tpu.memory_space<vmem>>, %arg5: memref<128x128xf32, #tpu.memory_space<vmem>>, %arg6: memref<1x128xf32, #tpu.memory_space<vmem>>, %arg7: memref<2000x128xf32, #tpu.memory_space<vmem>>) attributes {dimension_semantics = [#tpu.dimension_semantics<arbitrary>], iteration_bounds = array<i64: 5>, scalar_prefetch = 0 : i64, scratch_operands = 0 : i64, tpu.core_type = #tpu.core_type<tc>, window_params = [{transform_indices = @transform_0, window_bounds = array<i64: 2000, 128>}, {transform_indices = @transform_1, window_bounds = array<i64: 2, 2000, 128>}, {pipeline_mode = #tpu.pipeline_mode<synchronous>, transform_indices = @transform_2, window_bounds = array<i64: 128, 128>}, {pipeline_mode = #tpu.pipeline_mode<synchronous>, transform_indices = @transform_3, window_bounds = array<i64: 1, 128>}, {pipeline_mode = #tpu.pipeline_mode<synchronous>, transform_indices = @transform_4, window_bounds = array<i64: 128, 128>}, {pipeline_mode = #tpu.pipeline_mode<synchronous>, transform_indices = @transform_5, window_bounds = array<i64: 1, 128>}, {transform_indices = @transform_6, window_bounds = array<i64: 2000, 128>}]} {
    %get3A = arith.constant 0 : index
    %get3A_0 = arith.constant 0 : index
    %get3A_1 = vector.load %arg1[%get3A, %get3A_0] : memref<2000x128xf32, #tpu.memory_space<vmem>>, vector<2000x128xf32>
    %get3A_2 = arith.constant 0 : index
    %get3A_3 = arith.constant 0 : index
    %get3A_4 = arith.constant 0 : index
    %get3A_5 = vector.load %arg2[%get3A_2, %get3A_3, %get3A_4] : memref<2x2000x128xf32, #tpu.memory_space<vmem>>, vector<1x2000x128xf32>
    %get3A_6 = vector.shape_cast %get3A_5 : vector<1x2000x128xf32> to vector<2000x128xf32>
    %add3A = arith.addf %get3A_1, %get3A_6 : vector<2000x128xf32>
    %get3A_7 = arith.constant 1 : index
    %get3A_8 = arith.constant 0 : index
    %get3A_9 = arith.constant 0 : index
    %get3A_10 = vector.load %arg2[%get3A_7, %get3A_8, %get3A_9] : memref<2x2000x128xf32, #tpu.memory_space<vmem>>, vector<1x2000x128xf32>
    %get3A_11 = vector.shape_cast %get3A_10 : vector<1x2000x128xf32> to vector<2000x128xf32>
    %add3A_12 = arith.addf %add3A, %get3A_11 : vector<2000x128xf32>
    %get3A_13 = arith.constant 0 : index
    %get3A_14 = arith.constant 0 : index
    %get3A_15 = vector.load %arg3[%get3A_13, %get3A_14] : memref<128x128xf32, #tpu.memory_space<vmem>>, vector<128x128xf32>
    %dot_general3A = arith.constant dense<0.000000e+00> : vector<2000x128xf32>
    %dot_general3A_16 = tpu.matmul %add3A_12, %get3A_15, %dot_general3A {dimension_numbers = #tpu.dot_dimension_numbers<[1], [0], [0], [1], [0, 0, 1, 1], [], []>, transpose_lhs_hint = false} : vector<2000x128xf32>, vector<128x128xf32>, vector<2000x128xf32> -> vector<2000x128xf32>
    %get3A_17 = arith.constant 0 : index
    %get3A_18 = arith.constant 0 : index
    %get3A_19 = vector.load %arg4[%get3A_17, %get3A_18] : memref<1x128xf32, #tpu.memory_space<vmem>>, vector<1x128xf32>
    %add3A_20 = vector.broadcast %get3A_19 : vector<1x128xf32> to vector<2000x128xf32>
    %add3A_21 = arith.addf %dot_general3A_16, %add3A_20 : vector<2000x128xf32>
    %max3A = arith.constant 0.000000e+00 : f32
    %max3A_22 = vector.broadcast %max3A : f32 to vector<2000x128xf32>
    %max3A_23 = arith.maximumf %add3A_21, %max3A_22 : vector<2000x128xf32>
    %get3A_24 = arith.constant 0 : index
    %get3A_25 = arith.constant 0 : index
    %get3A_26 = vector.load %arg5[%get3A_24, %get3A_25] : memref<128x128xf32, #tpu.memory_space<vmem>>, vector<128x128xf32>
    %dot_general3A_27 = arith.constant dense<0.000000e+00> : vector<2000x128xf32>
    %dot_general3A_28 = tpu.matmul %max3A_23, %get3A_26, %dot_general3A_27 {dimension_numbers = #tpu.dot_dimension_numbers<[1], [0], [0], [1], [0, 0, 1, 1], [], []>, transpose_lhs_hint = false} : vector<2000x128xf32>, vector<128x128xf32>, vector<2000x128xf32> -> vector<2000x128xf32>
    %get3A_29 = arith.constant 0 : index
    %get3A_30 = arith.constant 0 : index
    %get3A_31 = vector.load %arg6[%get3A_29, %get3A_30] : memref<1x128xf32, #tpu.memory_space<vmem>>, vector<1x128xf32>
    %add3A_32 = vector.broadcast %get3A_31 : vector<1x128xf32> to vector<2000x128xf32>
    %add3A_33 = arith.addf %dot_general3A_28, %add3A_32 : vector<2000x128xf32>
    %max3A_34 = arith.constant 0.000000e+00 : f32
    %max3A_35 = vector.broadcast %max3A_34 : f32 to vector<2000x128xf32>
    %max3A_36 = arith.maximumf %add3A_33, %max3A_35 : vector<2000x128xf32>
    %swap3A = arith.constant 0 : index
    %swap3A_37 = arith.constant 0 : index
    %swap3A_38 = vector.load %arg7[%swap3A, %swap3A_37] : memref<2000x128xf32, #tpu.memory_space<vmem>>, vector<2000x128xf32>
    tpu.vector_store %arg7[%swap3A, %swap3A_37], %max3A_36 {strides = array<i32>} : memref<2000x128xf32, #tpu.memory_space<vmem>>, vector<2000x128xf32>,
    return
  }
  func.func @transform_0(%arg0: i32) -> (i32, i32) {
    %c0_i32 = arith.constant 0 : i32
    %c0_i32_0 = arith.constant 0 : i32
    return %arg0, %c0_i32 : i32, i32
  }
  func.func @transform_1(%arg0: i32) -> (i32, i32, i32) {
    %c0_i32 = arith.constant 0 : i32
    %c0_i32_0 = arith.constant 0 : i32
    %c0_i32_1 = arith.constant 0 : i32
    return %c0_i32, %arg0, %c0_i32_0 : i32, i32, i32
  }
  func.func @transform_2(%arg0: i32) -> (i32, i32) {
    %c0_i32 = arith.constant 0 : i32
    %c0_i32_0 = arith.constant 0 : i32
    %c0_i32_1 = arith.constant 0 : i32
    return %c0_i32, %c0_i32_0 : i32, i32
  }
  func.func @transform_3(%arg0: i32) -> (i32, i32) {
    %c0_i32 = arith.constant 0 : i32
    %c0_i32_0 = arith.constant 0 : i32
    %c0_i32_1 = arith.constant 0 : i32
    return %c0_i32, %c0_i32_0 : i32, i32
  }
  func.func @transform_4(%arg0: i32) -> (i32, i32) {
    %c0_i32 = arith.constant 0 : i32
    %c0_i32_0 = arith.constant 0 : i32
    %c0_i32_1 = arith.constant 0 : i32
    return %c0_i32, %c0_i32_0 : i32, i32
  }
  func.func @transform_5(%arg0: i32) -> (i32, i32) {
    %c0_i32 = arith.constant 0 : i32
    %c0_i32_0 = arith.constant 0 : i32
    %c0_i32_1 = arith.constant 0 : i32
    return %c0_i32, %c0_i32_0 : i32, i32
  }
  func.func @transform_6(%arg0: i32) -> (i32, i32) {
    %c0_i32 = arith.constant 0 : i32
    %c0_i32_0 = arith.constant 0 : i32
    return %arg0, %c0_i32 : i32, i32
  }
}

</mosaic_0001>

<sc_bundles>
// kernel: kernel.6.cloned.1.call-start
scs
__scs_entry_jumppad:
0x0: {  	(pc) =	sbr.rel $0x88, $3  }
0x1: {  	(tag) =	ssettag $0x0;
	lr =	simm.s32 $0x1  }
0x2: {  	[smem:$0x3F97] =	sst lr;
	_ =	strace $0xD0000000  }
0x3: {  	_ = 	snop  }
0x4: {  	_ = 	snop  }
0x5: {  	_ = 	snop  }
0x6: {  	_ = 	snop  }
0x7: {  	_ = 	snop  }
__scs_overlays_trampoline_lowered:
0x8: {  	[smem:$0x3FA6] =	sst s0  }
0x9: {  	[smem:$0x3FA7] =	sst s1  }
0xa: {  	[smem:$0x3FA8] =	sst s2  }
0xb: {  	[smem:$0x3FA9] =	sst s3  }
0xc: {  	[smem:$0x3FAA] =	sst s4  }
0xd: {  	[smem:$0x3FAB] =	sst s5  }
0xe: {  	[smem:$0x3FAC] =	sst s6  }
0xf: {  	[smem:$0x3FAD] =	sst s7  }
0x10: {  	[smem:$0x3FAE] =	sst s8  }
0x11: {  	[smem:$0x3FAF] =	sst s9;
	s0 =	simm.s32 @!p0 $0x0  }
0x12: {  	s1 =	sld [smem:$0x3F95];
	s0 =	simm.s32 @p0 $0x1  }
0x13: {  	[smem:$0x3FB0] =	sst s0;
	s0 =	simm.s32 @!p1 $0x0  }
0x14: {  	s2 =	sld [smem:$0x3F94];
	s0 =	simm.s32 @p1 $0x1  }
0x15: {  	[smem:$0x3FB1] =	sst s0;
	s0 =	simm.s32 @!p2 $0x0  }
0x16: {  	s3 =	sld [smem:$0x3FDB];
	s0 =	simm.s32 @p2 $0x1  }
0x17: {  	s4 =	simm.s32 $0x1BF5;
	[smem:$0x3FB3] =	sst s0  }
0x18: {  	s0 =	sld [smem:$0x3F96];
	_ =	swait.ge [sflag:s4], $0x0  }
0x19: {  	s7 =	sld [smem:$0x3F97]  }
0x1a: {  	s8 =	sadd.s32 $0xFFFFE003, lr  }
0x1b: {  	s9 =	sadd.s32 $0xFFFFFEF7, lr;
	s5 =	simm.s32 $0xFFFFFFFF;
	p2 =	slt.u32 s8, $0xFFFFF086  }
0x1c: {  	p1 =	slt.u32 s9, $0xF7A;
	s5 =	simm.s32 @!p2 $0x0  }
0x1d: {  	s5 =	simm.s32 @p1 $0x1;
	p0 =	seq.s32 s7, s2  }
0x1e: {  	s7 =	smul.u32 @!p0 $0xF7A, s2;
	p2 =	seq.s32 @!p0 s5, $0x0  }
0x1f: {  	s9 =	smul.u32 $0xF7A, s1;
	s8 =	simm.s32 @!p0 $0x1BF5;
	p2 =	por !p2, p0  }
0x20: {  	[sflag:s8] =	ssyncset.s32 @!p0 $0xFFFFF086;
	s6 =	sadd.s32 @!p0 s3, s7;
	s7 =	simm.s32 @!p0 $0x108  }
0x21: {  	s3 =	sadd.s32 s3, s9;
	s6 =	sadd.s32 @!p0 $0x88, s6;
	s7 =	simm.s32 @p2 $0x1082  }
0x22: {  	[simem:s7], [sflag:s8] =	dma.local @!p0 [hbm:s6], $0xF7A  }
0x23: {  	s9 =	sor.u32 $0xD0000000, s2;
	s6 =	simm.s32 $0x108;
	_ =	swait.ge @!p0 [sflag:s8], $0x0  }
0x24: {  	s3 =	sadd.s32 $0x88, s3;
	s6 =	simm.s32 @!p1 $0x1082;
	[sflag:s4] =	ssyncset.s32 $0xFFFFF086  }
0x25: {  	[simem:s6], [sflag:s4] =	dma.local [hbm:s3], $0xF7A  }
0x26: {  	[smem:$0x3F97] =	sst s1;
	(tag) =	ssettag s2;
	_ =	strace s9  }
0x27: {  	s1 =	sld [smem:$0x3FA7]  }
0x28: {  	s2 =	sld [smem:$0x3FA8]  }
0x29: {  	s4 =	sld [smem:$0x3FAA]  }
0x2a: {  	p0 =	seq.s32 s5, $0x0;
	s5 =	sld [smem:$0x3FAB]  }
0x2b: {  	s6 =	sld [smem:$0x3FAC]  }
0x2c: {  	s7 =	sld [smem:$0x3FAD]  }
0x2d: {  	s3 =	simm.s32 $0x108;
	s8 =	sld [smem:$0x3FAE]  }
0x2e: {  	s3 =	simm.s32 @!p0 $0x1082;
	s9 =	sld [smem:$0x3FAF]  }
0x2f: {  	lr =	sadd.s32 s0, s3;
	s0 =	sld [smem:$0x3FA6]  }
0x30: {  	s3 =	sld [smem:$0x3FA9]  }
0x31: {  	[smem:$0x3FB2] =	sst s10  }
0x32: {  	s10 =	sld [smem:$0x3FB0];
	_ =	sdelay $0x3  }
0x33: {  	p0 =	seq.s32 s10, $0x1;
	s10 =	sld [smem:$0x3FB2];
	_ =	sdelay $0x3  }
0x34: {  	[smem:$0x3FB2] =	sst s10  }
0x35: {  	s10 =	sld [smem:$0x3FB1];
	_ =	sdelay $0x3  }
0x36: {  	p1 =	seq.s32 s10, $0x1;
	s10 =	sld [smem:$0x3FB2];
	_ =	sdelay $0x3  }
0x37: {  	[smem:$0x3FB2] =	sst s10  }
0x38: {  	s10 =	sld [smem:$0x3FB3]  }
0x39: {  	_ = 	snop;
	(pc) =	sbr.ind lr, $3  }
0x3a: {  	_ = 	snop  }
0x3b: {  	_ = 	snop  }
0x3c: {  	p2 =	seq.s32 s10, $0x1;
	s10 =	sld [smem:$0x3FB2]  }
0x3d: {  	_ =	shalt  }
0x3e: {  	_ =	shalt  }
0x3f: {  	_ =	shalt  }
0x40: {  	_ =	shalt  }
0x41: {  	_ =	shalt  }
0x42: {  	_ =	shalt  }
0x43: {  	_ =	shalt  }
0x44: {  	_ =	shalt  }
0x45: {  	_ =	shalt  }
0x46: {  	_ =	shalt  }
0x47: {  	_ =	shalt  }
0x48: {  	_ =	shalt  }
0x49: {  	_ =	shalt  }
0x4a: {  	_ =	shalt  }
0x4b: {  	_ =	shalt  }
0x4c: {  	_ =	shalt  }
0x4d: {  	_ =	shalt  }
0x4e: {  	_ =	shalt  }
0x4f: {  	_ =	shalt  }
0x50: {  	_ =	shalt  }
0x51: {  	_ =	shalt  }
0x52: {  	_ =	shalt  }
0x53: {  	_ =	shalt  }
0x54: {  	_ =	shalt  }
0x55: {  	_ =	shalt  }
0x56: {  	_ =	shalt  }
0x57: {  	_ =	shalt  }
0x58: {  	_ =	shalt  }
0x59: {  	_ =	shalt  }
0x5a: {  	_ =	shalt  }
0x5b: {  	_ =	shalt  }
0x5c: {  	_ =	shalt  }
0x5d: {  	_ =	shalt  }
0x5e: {  	_ =	shalt  }
0x5f: {  	_ =	shalt  }
0x60: {  	_ =	shalt  }
0x61: {  	_ =	shalt  }
0x62: {  	_ =	shalt  }
0x63: {  	_ =	shalt  }
0x64: {  	_ =	shalt  }
0x65: {  	_ =	shalt  }
0x66: {  	_ =	shalt  }
0x67: {  	_ =	shalt  }
0x68: {  	_ =	shalt  }
0x69: {  	_ =	shalt  }
0x6a: {  	_ =	shalt  }
0x6b: {  	_ =	shalt  }
0x6c: {  	_ =	shalt  }
0x6d: {  	_ =	shalt  }
0x6e: {  	_ =	shalt  }
0x6f: {  	_ =	shalt  }
0x70: {  	_ =	shalt  }
0x71: {  	_ =	shalt  }
0x72: {  	_ =	shalt  }
0x73: {  	_ =	shalt  }
0x74: {  	_ =	shalt  }
0x75: {  	_ =	shalt  }
0x76: {  	_ =	shalt  }
0x77: {  	_ =	shalt  }
0x78: {  	_ =	shalt  }
0x79: {  	_ =	shalt  }
0x7a: {  	_ =	shalt  }
0x7b: {  	_ =	shalt  }
0x7c: {  	_ =	shalt  }
0x7d: {  	_ =	shalt  }
0x7e: {  	_ =	shalt  }
0x7f: {  	_ =	shalt  }
0x80: {  	_ =	shalt  }
0x81: {  	_ =	shalt  }
0x82: {  	_ =	shalt  }
0x83: {  	_ =	shalt  }
0x84: {  	_ =	shalt  }
0x85: {  	_ =	shalt  }
0x86: {  	_ =	shalt  }
0x87: {  	_ =	shalt  }
.Lfunc_end0:
.L_simem_size_0:
called_computation_lowered:
.L_overlay_start_0:
0x88: {  	s2 =	sld [smem:$0x3FD9]  }
0x89: {  	s3 =	sld [smem:$0x3FFE];
	_ =	sdelay $0x1  }
0x8a: {  	s1 =	srdreg.scid  }
0x8b: {  	s0 =	sand.u32 $0x1, s1  }
0x8c: {  	s17 =	sshll.u32 s0, $0xA;
	s2 =	sadd.s32 s3, s2  }
0x8d: {  	s2 =	sadd.s32 s2, s17  }
0x8e: {  	[smem:$0x3FBE] =	sst s2  }
0x8f: {  	_ = 	snop  }
0x90: {  	s2 =	sld [smem:$0x3FC9];
	(tm) =	ssettm $0x1  }
0x91: {  	s18 =	sld [smem:$0x3FFB];
	_ =	sdelay $0x3  }
0x92: {  	_ =	strace s18  }
0x93: {  	s3 =	sld [smem:$0x3FFC];
	_ =	sdelay $0x3  }
0x94: {  	_ =	strace s3  }
0x95: {  	s3 =	sld [smem:$0x3FFD];
	_ =	sdelay $0x3  }
0x96: {  	_ =	strace s3  }
0x97: {  	_ =	strace $0x8FFFFFFF  }
0x98: {  	s19 =	sld [smem:$0x3FDB];
	_ =	sdelay $0x1  }
0x99: {  	s4 =	simm.s32 $_scs_section_size  }
0x9a: {  	s5 =	simm.s32 $_size__tile_overlayer_lowered;
	s6 =	simm.s32 $_tile_overlayer_lowered  }
0x9b: {  	s22 =	simm.s32 $0x1BFF;
	s21 =	sshll.u32 s6, $0x1;
	s3 =	sadd.s32 s4, s19  }
0x9c: {  	s7 =	simm.s32 $0x0;
	s20 =	sshll.u32 s5, $0x1;
	s5 =	sadd.s32 s21, s3  }
0x9d: {  	[timem:s7], [sflag:s22] =	dma.local [hbm:s5], s20  }
0x9e: {  	_ =	swait.ge [sflag:s22], s20  }
0x9f: {  	s4 =	ssub.s32 $0x0, s20;
	[sflag:s22] =	ssyncset.done $0x0  }
0xa0: {  	[sflag:s22] =	ssyncadd.s32 s4;
	_ =	sdelay $0x1  }
0xa1: {  	s23 =	simm.s32 $0x1B8B  }
0xa2: {  	_ =	swait.ge [sflag:s23], $0x1  }
0xa3: {  	[sflag:s23] =	ssyncset.done $0x0  }
0xa4: {  	s25 =	simm.s32 $0x1B8E;
	s24 =	sld [smem:$0x3FFE];
	[sflag:s23] =	ssyncadd.s32 $0xFFFFFFFF  }
0xa5: {  	s26 =	simm.s32 $execute0_lowered;
	[smem:$0x3FD2] =	sst s25  }
0xa6: {  	s5 =	sshll.u32 s26, $0x1;
	_ =	strace $0x80000046;
	[dreg:$0x1] =	wrdreg $0xFFFFFFFF  }
0xa7: {  	s28 =	simm.s32 $_size_execute0_lowered;
	s3 =	sadd.s32 s3, s5;
	[dreg:$0x0] =	wrdreg $0x0  }
0xa8: {  	s5 =	sshll.u32 s28, $0x1;
	[dreg:$0x2] =	wrdreg s3  }
0xa9: {  	[dreg:$0x3] =	wrdreg s5  }
0xaa: {  	[dreg:$0x4] =	wrdreg $0xC0  }
0xab: {  	_ =	task [dreg:s7], $0x5FFFF  }
0xac: {  	[dreg:$0x1] =	wrdreg $0xFFFFFFFF  }
0xad: {  	[dreg:$0x0] =	wrdreg $0x60  }
0xae: {  	[dreg:$0x2] =	wrdreg s2  }
0xaf: {  	[dreg:$0x3] =	wrdreg s24  }
0xb0: {  	[dreg:$0x4] =	wrdreg $0xC3800  }
0xb1: {  	[dreg:$0x5] =	wrdreg $0x9  }
0xb2: {  	_ =	task.clear_ibuf [dreg:s7], $0x6FFFF;
	_ =	strace $0x90000046  }
0xb3: {  	s29 =	simm.s32 $0x9;
	_ =	strace $0x80000048  }
0xb4: {  	_ =	swait.ge [sflag:s29], $0x1  }
0xb5: {  	[sflag:s29] =	ssyncadd.s32 $0xFFFFFFFF  }
0xb6: {  	_ =	strace $0x90000048  }
0xb7: {  	_ =	sfence  }
0xb8: {  	s30 =	sld [smem:$0x0];
	_ =	sdelay $0x2  }
0xb9: {  	s31 =	sshll.u32 s1, $0xD;
	s1 =	sshrl.u32 s1, $0x2  }
0xba: {  	s3 =	sand.u32 $0x4000, s31;
	s1 =	sadd.s32 s1, s30  }
0xbb: {  	s0 =	sor.u32 s3, s0;
	s1 =	sshll.u32 s1, $0x11  }
0xbc: {  	s0 =	sor.u32 s1, s0  }
0xbd: {  	s0 =	sadd.s32 $0x8F2B, s0  }
0xbe: {  	[sflag:s0] =	ssyncadd.remote.s32 $0x1  }
0xbf: {  	_ =	sfence.sel $0xFFFF  }
0xc0: {  	[dreg:$0x0] =	wrdreg $0xFFFFFFFF;
	(pc) =	sbr.abs _section_cstart, $3  }
0xc1: {  	[dreg:$0x1] =	wrdreg $0xFFFFFFFF  }
0xc2: {  	_ =	task.clear_ibuf [dreg:s7], $0x2FFFF;
	_ =	strace $0x9FFFFFFF  }
0xc3: {  	(tm) =	ssettm $0x7FFFFFFF  }
tec
execute0_lowered:
.L_overlay_start_1:
0x0: {  	(tag) =	ssettag $0x1  }
0x1: {  	s1 =	rddreg [dreg:$0x0]  }
0x2: {  	s2 =	srdreg.scid;
	s6 =	rddreg [dreg:$0x1]  }
0x3: {  	s0 =	stileid.u32;
	s3 =	rddreg [dreg:$0x2];
	s4 =	simm.s32 $0x0  }
0x4: {  	s16 =	simm.s32 $0x2780;
	s17 =	simm.s32 $0x5B80;
	s18 =	simm.s32 $0x3  }
0x5: {  	s19 =	simm.s32 $0x1;
	s20 =	simm.s32 $0x2;
	s21 =	simm.s32 $0x68  }
0x6: {  	s22 =	simm.s32 $0x8F80;
	s23 =	simm.s32 $0x5680;
	s24 =	simm.s32 $0x2700  }
0x7: {  	s25 =	simm.s32 $0x5700;
	s26 =	simm.s32 $0x5780;
	s10 =	smul.u32 $0x13C00, s0  }
0x8: {  	s5 =	sand.u32 $0x1, s2;
	s29 =	sshll.u32 s0, $0x1;
	s30 =	smul.u32 $0x4F000, s0  }
0x9: {  	s28 =	simm.s32 $0x0;
	s7 =	sor.u32 s5, s29;
	s9 =	smul.u32 $0x13C000, s5  }
0xa: {  	[smem:$0x7FF] =	sst s4;
	s5 =	ssub.s32 $0x2, s5;
	s8 =	smul.u32 $0x4ED, s7  }
0xb: {  	_ =	strace $0x80000047;
	s7 =	smul.u32 $0x680, s7;
	s31 =	sshrl.u32 s5, $0x1  }
0xc: {  	s9 =	sadd.s32 s10, s9;
	s10 =	sshrl.u32 s30, $0x2;
	s11 =	ssub.s32 s5, s31  }
0xd: {  	s8 =	sadd.s32 s8, s6;
	s7 =	sadd.s32 s7, s6;
	s9 =	sshrl.u32 s9, $0x3  }
0xe: {  	s9 =	sadd.s32 s9, s6;
	s5 =	sadd.s32 $0x2200, s8;
	s6 =	sadd.s32 s10, s3  }
0xf: {  	s7 =	sadd.s32 $0xC000, s7;
	s10 =	smax.u32 s11, $0x1;
	s8 =	sadd.s32 $0x13800, s6  }
0x10: {  	s9 =	sadd.s32 $0x19000, s9;
	s11 =	sadd.s32 $0x3400, s6;
	s12 =	sadd.s32 $0x6800, s6  }
0x11: {  	v0 =	vimm.f32 $0.0e+00;
	s13 =	sadd.s32 $0x9C00, s6;
	s14 =	sadd.s32 $0xD000, s6;
	s15 =	sadd.s32 $0x10400, s6  }
.LBB2_1:
0x12: {  	[tilespmem:s4], [sflag:$0x1] =	stream.linear.gather [hbm4b:s5+s4], $0x2768, $0x38;
	[tilespmem:$0x1FF80] =	vst v63  }
0x13: {  	s29 =	sand.u32 $0xFE00, s4  }
0x14: {  	s30 =	sand.u32 $0x70, s4;
	s31 =	sshrl.u32 s29, $0x2  }
0x15: {  	[tilespmem:s16], [sflag:$0x2] =	stream.linear.gather [hbm4b:s7+s4], $0x3080, $0x38;
	[tilespmem:$0x1FF80] =	vst v63  }
0x16: {  	s29 =	simm.s32 $0x40;
	s31 =	sor.u32 s30, s31;
	s30 =	simm.s32 $0x0  }
.LBB2_2:
0x17: {  	p0 =	sne.s32 s29, $0xCFC0  }
0x18: {  	[tilespmem:s31+$0x5B80] =	vst v0;
	s30 =	sadd.s32 $0x10, s30;
	s31 =	smov.u32 s29;
	s29 =	sadd.s32 $0x40, s29  }
.Ltmp0:
0x19: {  	(pc) =	sbr.rel @p0 .LBB2_2-.Ltmp0, $4  }
0x1a: {  	_ = 	snop  }
0x1b: {  	s31 =	sand.u32 $0xFE00, s31  }
0x1c: {  	s2 =	sand.u32 $0x70, s30;
	s31 =	sshrl.u32 s31, $0x2  }
0x1d: {  	s31 =	sor.u32 s2, s31  }
0x1e: {  	[tilespmem:s31+$0x5B80] =	vst v0  }
0x1f: {  	[spmem:s6] =	stream.linear.scatter [tilespmem:s17], [sflag:$0x3], $0x3400, $0x38;
	[tilespmem:$0x1FF80] =	vst v63  }
0x20: {  	_ =	swait.ge [sflag:s18], $0x3400  }
0x21: {  	[sflag:s18] =	ssyncset.done $0x0  }
0x22: {  	[sflag:s18] =	ssyncadd.s32 $0xFFFFCC00  }
0x23: {  	[spmem:s11] =	stream.linear.scatter [tilespmem:s17], [sflag:$0x3], $0x3400, $0x38;
	[tilespmem:$0x1FF80] =	vst v63  }
0x24: {  	_ =	swait.ge [sflag:s18], $0x3400  }
0x25: {  	[sflag:s18] =	ssyncset.done $0x0  }
0x26: {  	[sflag:s18] =	ssyncadd.s32 $0xFFFFCC00  }
0x27: {  	[spmem:s12] =	stream.linear.scatter [tilespmem:s17], [sflag:$0x3], $0x3400, $0x38;
	[tilespmem:$0x1FF80] =	vst v63  }
0x28: {  	_ =	swait.ge [sflag:s18], $0x3400  }
0x29: {  	[sflag:s18] =	ssyncset.done $0x0  }
0x2a: {  	[sflag:s18] =	ssyncadd.s32 $0xFFFFCC00  }
0x2b: {  	[spmem:s13] =	stream.linear.scatter [tilespmem:s17], [sflag:$0x3], $0x3400, $0x38;
	[tilespmem:$0x1FF80] =	vst v63  }
0x2c: {  	_ =	swait.ge [sflag:s18], $0x3400  }
0x2d: {  	[sflag:s18] =	ssyncset.done $0x0  }
0x2e: {  	[sflag:s18] =	ssyncadd.s32 $0xFFFFCC00  }
0x2f: {  	[spmem:s14] =	stream.linear.scatter [tilespmem:s17], [sflag:$0x3], $0x3400, $0x38;
	[tilespmem:$0x1FF80] =	vst v63  }
0x30: {  	_ =	swait.ge [sflag:s18], $0x3400  }
0x31: {  	[sflag:s18] =	ssyncset.done $0x0  }
0x32: {  	[sflag:s18] =	ssyncadd.s32 $0xFFFFCC00  }
0x33: {  	[spmem:s15] =	stream.linear.scatter [tilespmem:s17], [sflag:$0x3], $0x3400, $0x38;
	[tilespmem:$0x1FF80] =	vst v63  }
0x34: {  	_ =	swait.ge [sflag:s18], $0x3400  }
0x35: {  	[sflag:s18] =	ssyncset.done $0x0  }
0x36: {  	[sflag:s18] =	ssyncadd.s32 $0xFFFFCC00  }
0x37: {  	[spmem:s8] =	stream.linear.scatter [tilespmem:s17], [sflag:$0x3], $0x400, $0x38;
	[tilespmem:$0x1FF80] =	vst v63  }
0x38: {  	_ =	swait.ge [sflag:s18], $0x400  }
0x39: {  	[sflag:s18] =	ssyncset.done $0x0  }
0x3a: {  	[sflag:s18] =	ssyncadd.s32 $0xFFFFFC00  }
0x3b: {  	_ =	swait.ge [sflag:s19], $0x2768  }
0x3c: {  	[sflag:s19] =	ssyncset.done $0x0  }
0x3d: {  	[sflag:s19] =	ssyncadd.s32 $0xFFFFD898  }
0x3e: {  	_ =	swait.ge [sflag:s20], $0x3080  }
0x3f: {  	[sflag:s20] =	ssyncset.done $0x0  }
0x40: {  	[sflag:s20] =	ssyncadd.s32 $0xFFFFCF80  }
0x41: {  	s2 =	simm.s32 $0x0;
	[bflag:$0x0] =	sbarrier.arrive $0xFFFF  }
0x42: {  	[tilespmem:s17], [sflag:$0x1] =	stream.indirect.gather [hbm4b:s1+s21], $0x80, s2, s21, $0xb8;
	[tilespmem:$0x1FF80] =	vst v63  }
0x43: {  	_ = 	snop  }
0x44: {  	[tilespmem:s22], [sflag:$0x2] =	stream.indirect.gather [hbm4b:s1+s21], $0x80, s21, s21, $0xb8;
	[tilespmem:$0x1FF80] =	vst v63  }
0x45: {  	_ =	swait.ge [sflag:s19], $0x3400  }
0x46: {  	[sflag:s19] =	ssyncset.done $0x0  }
0x47: {  	s0 =	simm.s32 $0x2780;
	[sflag:s19] =	ssyncadd.s32 $0xFFFFCC00  }
0x48: {  	[spmem:s3] =	stream.indirect.scatter.add.f32 [tilespmem:s17], [sflag:$0x3], $0x80, s0, s21, $0xb8;
	[tilespmem:$0x1FF80] =	vst v63  }
0x49: {  	_ =	swait.ge [sflag:s18], $0x3400  }
0x4a: {  	[sflag:s18] =	ssyncset.done $0x0  }
0x4b: {  	s0 =	simm.s32 $0xD0;
	[sflag:s18] =	ssyncadd.s32 $0xFFFFCC00  }
0x4c: {  	[tilespmem:s17], [sflag:$0x1] =	stream.indirect.gather [hbm4b:s1+s21], $0x80, s0, s21, $0xb8;
	[tilespmem:$0x1FF80] =	vst v63  }
0x4d: {  	_ =	swait.ge [sflag:s20], $0x3400  }
0x4e: {  	[sflag:s20] =	ssyncset.done $0x0  }
0x4f: {  	s0 =	simm.s32 $0x2800;
	[sflag:s20] =	ssyncadd.s32 $0xFFFFCC00  }
0x50: {  	[spmem:s3] =	stream.indirect.scatter.add.f32 [tilespmem:s22], [sflag:$0x3], $0x80, s0, s21, $0xb8;
	[tilespmem:$0x1FF80] =	vst v63  }
0x51: {  	_ =	swait.ge [sflag:s18], $0x3400  }
0x52: {  	s29 =	simm.s32 $0x138;
	[sflag:s18] =	ssyncset.done $0x0  }
0x53: {  	s30 =	simm.s32 $0x400;
	s31 =	simm.s32 $0x208;
	[sflag:s18] =	ssyncadd.s32 $0xFFFFCC00  }
.LBB2_4:
0x54: {  	[tilespmem:s22], [sflag:$0x2] =	stream.indirect.gather [hbm4b:s1+s21], $0x80, s29, s21, $0xb8;
	[tilespmem:$0x1FF80] =	vst v63  }
0x55: {  	s2 =	smov.u32 s30;
	s29 =	smov.u32 s31  }
0x56: {  	p0 =	sne.s32 s30, $0xB800;
	s30 =	sadd.s32 $0x400, s30;
	_ =	swait.ge [sflag:s19], $0x3400  }
0x57: {  	s2 =	sshra.s32 s2, $0x2;
	[sflag:s19] =	ssyncset.done $0x0  }
0x58: {  	s0 =	sadd.s32 $0x2780, s2;
	[sflag:s19] =	ssyncadd.s32 $0xFFFFCC00  }
0x59: {  	[spmem:s3] =	stream.indirect.scatter.add.f32 [tilespmem:s17], [sflag:$0x3], $0x80, s0, s21, $0xb8;
	[tilespmem:$0x1FF80] =	vst v63  }
0x5a: {  	_ =	swait.ge [sflag:s18], $0x3400  }
0x5b: {  	[sflag:s18] =	ssyncset.done $0x0  }
0x5c: {  	s0 =	sadd.s32 $0xFFFFFF98, s31;
	[sflag:s18] =	ssyncadd.s32 $0xFFFFCC00  }
0x5d: {  	[tilespmem:s17], [sflag:$0x1] =	stream.indirect.gather [hbm4b:s1+s21], $0x80, s0, s21, $0xb8;
	[tilespmem:$0x1FF80] =	vst v63  }
0x5e: {  	_ =	swait.ge [sflag:s20], $0x3400  }
0x5f: {  	[sflag:s20] =	ssyncset.done $0x0  }
.Ltmp1:
0x60: {  	s0 =	sadd.s32 $0x2800, s2;
	[sflag:s20] =	ssyncadd.s32 $0xFFFFCC00;
	(pc) =	sbr.rel @p0 .LBB2_4-.Ltmp1, $4  }
0x61: {  	[spmem:s3] =	stream.indirect.scatter.add.f32 [tilespmem:s22], [sflag:$0x3], $0x80, s0, s21, $0xb8;
	[tilespmem:$0x1FF80] =	vst v63  }
0x62: {  	_ =	swait.ge [sflag:s18], $0x3400  }
0x63: {  	[sflag:s18] =	ssyncset.done $0x0  }
0x64: {  	s31 =	sadd.s32 $0xD0, s31;
	[sflag:s18] =	ssyncadd.s32 $0xFFFFCC00  }
0x65: {  	[tilespmem:s22], [sflag:$0x2] =	stream.indirect.gather [hbm4b:s1+s21], $0x80, s29, s21, $0xb8;
	[tilespmem:$0x1FF80] =	vst v63  }
0x66: {  	_ =	swait.ge [sflag:s19], $0x3400  }
0x67: {  	[sflag:s19] =	ssyncset.done $0x0  }
0x68: {  	[sflag:s19] =	ssyncadd.s32 $0xFFFFCC00  }
0x69: {  	[spmem:s3] =	stream.indirect.scatter.add.f32 [tilespmem:s17], [sflag:$0x3], $0x80, s23, s21, $0xb8;
	[tilespmem:$0x1FF80] =	vst v63  }
0x6a: {  	_ =	swait.ge [sflag:s18], $0x3400  }
0x6b: {  	[sflag:s18] =	ssyncset.done $0x0  }
0x6c: {  	[sflag:s18] =	ssyncadd.s32 $0xFFFFCC00  }
0x6d: {  	[tilespmem:s17], [sflag:$0x1] =	stream.indirect.gather [hbm4b:s1+s21], $0x80, s24, s21, $0xb8;
	[tilespmem:$0x1FF80] =	vst v63  }
0x6e: {  	_ =	swait.ge [sflag:s20], $0x3400  }
0x6f: {  	[sflag:s20] =	ssyncset.done $0x0  }
0x70: {  	[sflag:s20] =	ssyncadd.s32 $0xFFFFCC00  }
0x71: {  	[spmem:s3] =	stream.indirect.scatter.add.f32 [tilespmem:s22], [sflag:$0x3], $0x80, s25, s21, $0xb8;
	[tilespmem:$0x1FF80] =	vst v63  }
0x72: {  	_ =	swait.ge [sflag:s18], $0x3400  }
0x73: {  	[sflag:s18] =	ssyncset.done $0x0  }
0x74: {  	[sflag:s18] =	ssyncadd.s32 $0xFFFFCC00  }
0x75: {  	_ =	swait.ge [sflag:s19], $0x3400  }
0x76: {  	[sflag:s19] =	ssyncset.done $0x0  }
0x77: {  	[sflag:s19] =	ssyncadd.s32 $0xFFFFCC00  }
0x78: {  	[spmem:s3] =	stream.indirect.scatter.add.f32 [tilespmem:s17], [sflag:$0x3], $0x80, s26, s21, $0xb8;
	[tilespmem:$0x1FF80] =	vst v63  }
0x79: {  	s0 =	stileid.u32;
	_ =	swait.ge [sflag:s18], $0x3400  }
0x7a: {  	s2 =	sshrl.u32 s6, $0x3;
	s28 =	sadd.s32 $0x1, s28;
	[sflag:s18] =	ssyncset.done $0x0  }
0x7b: {  	s0 =	sshll.u32 s0, $0x6;
	p0 =	sne.s32 s28, s10;
	[sflag:s18] =	ssyncadd.s32 $0xFFFFCC00  }
.Ltmp2:
0x7c: {  	s0 =	sor.u32 $0x1C03, s0;
	[bflag:$0x0] =	sbarrier.arrive $0xFFFF;
	(pc) =	sbr.rel @p0 .LBB2_1-.Ltmp2, $4  }
0x7d: {  	[hbm:s9], [sflag:s0] =	dma.local [spmem:s2], $0x2780  }
0x7e: {  	_ =	swait.ge [sflag:s18], $0x2780  }
0x7f: {  	[sflag:s18] =	ssyncset.done $0x0  }
0x80: {  	[sflag:s18] =	ssyncadd.s32 $0xFFFFD880  }
0x81: {  	_ =	sfence.sel $0x180000  }
0x82: {  	[bflag:$0x0] =	sbarrier.arrive $0xFFFF  }
0x83: {  	_ =	strace $0x90000047  }
0x84: {  	s0 =	stileid.u32;
	[bflag:$0x2] =	sbarrier.arrive $0xFFFF  }
0x85: {  	p0 =	sne.s32 s0, $0x0;
	s0 =	rddreg [dreg:$0x3]  }
0x86: {  	s0 =	sadd.s32 @!p0 $0x100000, s0  }
0x87: {  	[sflag:s0] =	ssyncadd.tile.s32 @!p0 $0x1;
	_ =	shalt  }
.Lfunc_end2:
_tile_overlayer_lowered:
.L_overlay_start_2:
0x88: {  	(tag) =	ssettag $0x2  }
0x89: {  	s0 =	rddreg [dreg:$0x0];
	s2 =	stileid.u32  }
0x8a: {  	s1 =	rddreg [dreg:$0x1];
	p0 =	sne.s32 s2, $0x0  }
0x8b: {  	s3 =	rddreg [dreg:$0x2];
	[bflag:$0x3] =	sbarrier.arrive $0xFFFF;
	s2 =	simm.s32 @!p0 $0x1C03  }
0x8c: {  	[timem:s3], [sflag:s2] =	dma.local @!p0 [hbm:s0], s1  }
0x8d: {  	s0 =	simm.s32 @!p0 $0x3  }
0x8e: {  	_ =	swait.ge @!p0 [sflag:s0], s1  }
0x8f: {  	s1 =	ssub.s32 @!p0 $0x0, s1;
	[sflag:s0] =	ssyncset.done @!p0 $0x0  }
0x90: {  	[sflag:s0] =	ssyncadd.s32 @!p0 s1  }
0x91: {  	[bflag:$0x3] =	sbarrier.arrive $0xFFFF  }
0x92: {  	_ =	shalt  }

// kernel: kernel.9.cloned.1.call-start
scs
__scs_entry_jumppad:
0x0: {  	(pc) =	sbr.rel $0x88, $3  }
0x1: {  	(tag) =	ssettag $0x0;
	lr =	simm.s32 $0x1  }
0x2: {  	[smem:$0x3F97] =	sst lr;
	_ =	strace $0xD0000000  }
0x3: {  	_ = 	snop  }
0x4: {  	_ = 	snop  }
0x5: {  	_ = 	snop  }
0x6: {  	_ = 	snop  }
0x7: {  	_ = 	snop  }
__scs_overlays_trampoline_lowered:
0x8: {  	[smem:$0x3FA6] =	sst s0  }
0x9: {  	[smem:$0x3FA7] =	sst s1  }
0xa: {  	[smem:$0x3FA8] =	sst s2  }
0xb: {  	[smem:$0x3FA9] =	sst s3  }
0xc: {  	[smem:$0x3FAA] =	sst s4  }
0xd: {  	[smem:$0x3FAB] =	sst s5  }
0xe: {  	[smem:$0x3FAC] =	sst s6  }
0xf: {  	[smem:$0x3FAD] =	sst s7  }
0x10: {  	[smem:$0x3FAE] =	sst s8  }
0x11: {  	[smem:$0x3FAF] =	sst s9;
	s0 =	simm.s32 @!p0 $0x0  }
0x12: {  	s1 =	sld [smem:$0x3F95];
	s0 =	simm.s32 @p0 $0x1  }
0x13: {  	[smem:$0x3FB0] =	sst s0;
	s0 =	simm.s32 @!p1 $0x0  }
0x14: {  	s2 =	sld [smem:$0x3F94];
	s0 =	simm.s32 @p1 $0x1  }
0x15: {  	[smem:$0x3FB1] =	sst s0;
	s0 =	simm.s32 @!p2 $0x0  }
0x16: {  	s3 =	sld [smem:$0x3FDB];
	s0 =	simm.s32 @p2 $0x1  }
0x17: {  	s4 =	simm.s32 $0x1BF5;
	[smem:$0x3FB3] =	sst s0  }
0x18: {  	s0 =	sld [smem:$0x3F96];
	_ =	swait.ge [sflag:s4], $0x0  }
0x19: {  	s7 =	sld [smem:$0x3F97]  }
0x1a: {  	s8 =	sadd.s32 $0xFFFFE003, lr  }
0x1b: {  	s9 =	sadd.s32 $0xFFFFFEF7, lr;
	s5 =	simm.s32 $0xFFFFFFFF;
	p2 =	slt.u32 s8, $0xFFFFF086  }
0x1c: {  	p1 =	slt.u32 s9, $0xF7A;
	s5 =	simm.s32 @!p2 $0x0  }
0x1d: {  	s5 =	simm.s32 @p1 $0x1;
	p0 =	seq.s32 s7, s2  }
0x1e: {  	s7 =	smul.u32 @!p0 $0xF7A, s2;
	p2 =	seq.s32 @!p0 s5, $0x0  }
0x1f: {  	s9 =	smul.u32 $0xF7A, s1;
	s8 =	simm.s32 @!p0 $0x1BF5;
	p2 =	por !p2, p0  }
0x20: {  	[sflag:s8] =	ssyncset.s32 @!p0 $0xFFFFF086;
	s6 =	sadd.s32 @!p0 s3, s7;
	s7 =	simm.s32 @!p0 $0x108  }
0x21: {  	s3 =	sadd.s32 s3, s9;
	s6 =	sadd.s32 @!p0 $0x88, s6;
	s7 =	simm.s32 @p2 $0x1082  }
0x22: {  	[simem:s7], [sflag:s8] =	dma.local @!p0 [hbm:s6], $0xF7A  }
0x23: {  	s9 =	sor.u32 $0xD0000000, s2;
	s6 =	simm.s32 $0x108;
	_ =	swait.ge @!p0 [sflag:s8], $0x0  }
0x24: {  	s3 =	sadd.s32 $0x88, s3;
	s6 =	simm.s32 @!p1 $0x1082;
	[sflag:s4] =	ssyncset.s32 $0xFFFFF086  }
0x25: {  	[simem:s6], [sflag:s4] =	dma.local [hbm:s3], $0xF7A  }
0x26: {  	[smem:$0x3F97] =	sst s1;
	(tag) =	ssettag s2;
	_ =	strace s9  }
0x27: {  	s1 =	sld [smem:$0x3FA7]  }
0x28: {  	s2 =	sld [smem:$0x3FA8]  }
0x29: {  	s4 =	sld [smem:$0x3FAA]  }
0x2a: {  	p0 =	seq.s32 s5, $0x0;
	s5 =	sld [smem:$0x3FAB]  }
0x2b: {  	s6 =	sld [smem:$0x3FAC]  }
0x2c: {  	s7 =	sld [smem:$0x3FAD]  }
0x2d: {  	s3 =	simm.s32 $0x108;
	s8 =	sld [smem:$0x3FAE]  }
0x2e: {  	s3 =	simm.s32 @!p0 $0x1082;
	s9 =	sld [smem:$0x3FAF]  }
0x2f: {  	lr =	sadd.s32 s0, s3;
	s0 =	sld [smem:$0x3FA6]  }
0x30: {  	s3 =	sld [smem:$0x3FA9]  }
0x31: {  	[smem:$0x3FB2] =	sst s10  }
0x32: {  	s10 =	sld [smem:$0x3FB0];
	_ =	sdelay $0x3  }
0x33: {  	p0 =	seq.s32 s10, $0x1;
	s10 =	sld [smem:$0x3FB2];
	_ =	sdelay $0x3  }
0x34: {  	[smem:$0x3FB2] =	sst s10  }
0x35: {  	s10 =	sld [smem:$0x3FB1];
	_ =	sdelay $0x3  }
0x36: {  	p1 =	seq.s32 s10, $0x1;
	s10 =	sld [smem:$0x3FB2];
	_ =	sdelay $0x3  }
0x37: {  	[smem:$0x3FB2] =	sst s10  }
0x38: {  	s10 =	sld [smem:$0x3FB3]  }
0x39: {  	_ = 	snop;
	(pc) =	sbr.ind lr, $3  }
0x3a: {  	_ = 	snop  }
0x3b: {  	_ = 	snop  }
0x3c: {  	p2 =	seq.s32 s10, $0x1;
	s10 =	sld [smem:$0x3FB2]  }
0x3d: {  	_ =	shalt  }
0x3e: {  	_ =	shalt  }
0x3f: {  	_ =	shalt  }
0x40: {  	_ =	shalt  }
0x41: {  	_ =	shalt  }
0x42: {  	_ =	shalt  }
0x43: {  	_ =	shalt  }
0x44: {  	_ =	shalt  }
0x45: {  	_ =	shalt  }
0x46: {  	_ =	shalt  }
0x47: {  	_ =	shalt  }
0x48: {  	_ =	shalt  }
0x49: {  	_ =	shalt  }
0x4a: {  	_ =	shalt  }
0x4b: {  	_ =	shalt  }
0x4c: {  	_ =	shalt  }
0x4d: {  	_ =	shalt  }
0x4e: {  	_ =	shalt  }
0x4f: {  	_ =	shalt  }
0x50: {  	_ =	shalt  }
0x51: {  	_ =	shalt  }
0x52: {  	_ =	shalt  }
0x53: {  	_ =	shalt  }
0x54: {  	_ =	shalt  }
0x55: {  	_ =	shalt  }
0x56: {  	_ =	shalt  }
0x57: {  	_ =	shalt  }
0x58: {  	_ =	shalt  }
0x59: {  	_ =	shalt  }
0x5a: {  	_ =	shalt  }
0x5b: {  	_ =	shalt  }
0x5c: {  	_ =	shalt  }
0x5d: {  	_ =	shalt  }
0x5e: {  	_ =	shalt  }
0x5f: {  	_ =	shalt  }
0x60: {  	_ =	shalt  }
0x61: {  	_ =	shalt  }
0x62: {  	_ =	shalt  }
0x63: {  	_ =	shalt  }
0x64: {  	_ =	shalt  }
0x65: {  	_ =	shalt  }
0x66: {  	_ =	shalt  }
0x67: {  	_ =	shalt  }
0x68: {  	_ =	shalt  }
0x69: {  	_ =	shalt  }
0x6a: {  	_ =	shalt  }
0x6b: {  	_ =	shalt  }
0x6c: {  	_ =	shalt  }
0x6d: {  	_ =	shalt  }
0x6e: {  	_ =	shalt  }
0x6f: {  	_ =	shalt  }
0x70: {  	_ =	shalt  }
0x71: {  	_ =	shalt  }
0x72: {  	_ =	shalt  }
0x73: {  	_ =	shalt  }
0x74: {  	_ =	shalt  }
0x75: {  	_ =	shalt  }
0x76: {  	_ =	shalt  }
0x77: {  	_ =	shalt  }
0x78: {  	_ =	shalt  }
0x79: {  	_ =	shalt  }
0x7a: {  	_ =	shalt  }
0x7b: {  	_ =	shalt  }
0x7c: {  	_ =	shalt  }
0x7d: {  	_ =	shalt  }
0x7e: {  	_ =	shalt  }
0x7f: {  	_ =	shalt  }
0x80: {  	_ =	shalt  }
0x81: {  	_ =	shalt  }
0x82: {  	_ =	shalt  }
0x83: {  	_ =	shalt  }
0x84: {  	_ =	shalt  }
0x85: {  	_ =	shalt  }
0x86: {  	_ =	shalt  }
0x87: {  	_ =	shalt  }
.Lfunc_end0:
.L_simem_size_0:
called_computation.1_lowered:
.L_overlay_start_0:
0x88: {  	s2 =	sld [smem:$0x3FD9]  }
0x89: {  	s3 =	sld [smem:$0x3FFE];
	_ =	sdelay $0x1  }
0x8a: {  	s1 =	srdreg.scid  }
0x8b: {  	s0 =	sand.u32 $0x1, s1  }
0x8c: {  	s17 =	sshll.u32 s0, $0xA;
	s2 =	sadd.s32 s3, s2  }
0x8d: {  	s2 =	sadd.s32 s2, s17  }
0x8e: {  	[smem:$0x3FBE] =	sst s2  }
0x8f: {  	_ = 	snop  }
0x90: {  	s2 =	sld [smem:$0x3FD0];
	(tm) =	ssettm $0x1  }
0x91: {  	s18 =	sld [smem:$0x3FFB];
	_ =	sdelay $0x3  }
0x92: {  	_ =	strace s18  }
0x93: {  	s3 =	sld [smem:$0x3FFC];
	_ =	sdelay $0x3  }
0x94: {  	_ =	strace s3  }
0x95: {  	s3 =	sld [smem:$0x3FFD];
	_ =	sdelay $0x3  }
0x96: {  	_ =	strace s3  }
0x97: {  	_ =	strace $0x8FFFFFFF  }
0x98: {  	s19 =	sld [smem:$0x3FDB];
	_ =	sdelay $0x1  }
0x99: {  	s4 =	simm.s32 $_scs_section_size  }
0x9a: {  	s5 =	simm.s32 $_size__tile_overlayer_lowered;
	s6 =	simm.s32 $_tile_overlayer_lowered  }
0x9b: {  	s22 =	simm.s32 $0x1BFF;
	s21 =	sshll.u32 s6, $0x1;
	s3 =	sadd.s32 s4, s19  }
0x9c: {  	s7 =	simm.s32 $0x0;
	s20 =	sshll.u32 s5, $0x1;
	s5 =	sadd.s32 s21, s3  }
0x9d: {  	[timem:s7], [sflag:s22] =	dma.local [hbm:s5], s20  }
0x9e: {  	_ =	swait.ge [sflag:s22], s20  }
0x9f: {  	s4 =	ssub.s32 $0x0, s20;
	[sflag:s22] =	ssyncset.done $0x0  }
0xa0: {  	[sflag:s22] =	ssyncadd.s32 s4;
	_ =	sdelay $0x1  }
0xa1: {  	s23 =	simm.s32 $0x1B8B  }
0xa2: {  	_ =	swait.ge [sflag:s23], $0x1  }
0xa3: {  	[sflag:s23] =	ssyncset.done $0x0  }
0xa4: {  	s25 =	simm.s32 $0x1B8E;
	s24 =	sld [smem:$0x3FFE];
	[sflag:s23] =	ssyncadd.s32 $0xFFFFFFFF  }
0xa5: {  	s26 =	simm.s32 $execute0_lowered;
	[smem:$0x3FD2] =	sst s25  }
0xa6: {  	s5 =	sshll.u32 s26, $0x1;
	_ =	strace $0x80000049;
	[dreg:$0x1] =	wrdreg $0xFFFFFFFF  }
0xa7: {  	s28 =	simm.s32 $_size_execute0_lowered;
	s3 =	sadd.s32 s3, s5;
	[dreg:$0x0] =	wrdreg $0x0  }
0xa8: {  	s5 =	sshll.u32 s28, $0x1;
	[dreg:$0x2] =	wrdreg s3  }
0xa9: {  	[dreg:$0x3] =	wrdreg s5  }
0xaa: {  	[dreg:$0x4] =	wrdreg $0xC0  }
0xab: {  	_ =	task [dreg:s7], $0x5FFFF  }
0xac: {  	[dreg:$0x1] =	wrdreg $0xFFFFFFFF  }
0xad: {  	[dreg:$0x0] =	wrdreg $0x60  }
0xae: {  	[dreg:$0x2] =	wrdreg s2  }
0xaf: {  	[dreg:$0x3] =	wrdreg s24  }
0xb0: {  	[dreg:$0x4] =	wrdreg $0xC3800  }
0xb1: {  	[dreg:$0x5] =	wrdreg $0x9  }
0xb2: {  	_ =	task.clear_ibuf [dreg:s7], $0x6FFFF;
	_ =	strace $0x90000049  }
0xb3: {  	s29 =	simm.s32 $0x9;
	_ =	strace $0x8000004B  }
0xb4: {  	_ =	swait.ge [sflag:s29], $0x1  }
0xb5: {  	[sflag:s29] =	ssyncadd.s32 $0xFFFFFFFF  }
0xb6: {  	_ =	strace $0x9000004B  }
0xb7: {  	_ =	sfence  }
0xb8: {  	s30 =	sld [smem:$0x0];
	_ =	sdelay $0x2  }
0xb9: {  	s31 =	sshll.u32 s1, $0xD;
	s1 =	sshrl.u32 s1, $0x2  }
0xba: {  	s3 =	sand.u32 $0x4000, s31;
	s1 =	sadd.s32 s1, s30  }
0xbb: {  	s0 =	sor.u32 s3, s0;
	s1 =	sshll.u32 s1, $0x11  }
0xbc: {  	s0 =	sor.u32 s1, s0  }
0xbd: {  	s0 =	sadd.s32 $0x8F2B, s0  }
0xbe: {  	[sflag:s0] =	ssyncadd.remote.s32 $0x1  }
0xbf: {  	_ =	sfence.sel $0xFFFF  }
0xc0: {  	[dreg:$0x0] =	wrdreg $0xFFFFFFFF;
	(pc) =	sbr.abs _section_cstart, $3  }
0xc1: {  	[dreg:$0x1] =	wrdreg $0xFFFFFFFF  }
0xc2: {  	_ =	task.clear_ibuf [dreg:s7], $0x2FFFF;
	_ =	strace $0x9FFFFFFF  }
0xc3: {  	(tm) =	ssettm $0x7FFFFFFF  }
tec
execute0_lowered:
.L_overlay_start_1:
0x0: {  	(tag) =	ssettag $0x1  }
0x1: {  	s1 =	rddreg [dreg:$0x0]  }
0x2: {  	s2 =	srdreg.scid;
	s6 =	rddreg [dreg:$0x1]  }
0x3: {  	s0 =	stileid.u32;
	s3 =	rddreg [dreg:$0x2];
	s4 =	simm.s32 $0x0  }
0x4: {  	s16 =	simm.s32 $0x2780;
	s17 =	simm.s32 $0x5B80;
	s18 =	simm.s32 $0x3  }
0x5: {  	s19 =	simm.s32 $0x1;
	s20 =	simm.s32 $0x2;
	s21 =	simm.s32 $0x68  }
0x6: {  	s22 =	simm.s32 $0x8F80;
	s23 =	simm.s32 $0x5680;
	s24 =	simm.s32 $0x2700  }
0x7: {  	s25 =	simm.s32 $0x5700;
	s26 =	simm.s32 $0x5780;
	s10 =	smul.u32 $0x13C00, s0  }
0x8: {  	s5 =	sand.u32 $0x1, s2;
	s29 =	sshll.u32 s0, $0x1;
	s30 =	smul.u32 $0x4F000, s0  }
0x9: {  	s28 =	simm.s32 $0x0;
	s7 =	sor.u32 s5, s29;
	s9 =	smul.u32 $0x13C000, s5  }
0xa: {  	[smem:$0x7FF] =	sst s4;
	s5 =	ssub.s32 $0x2, s5;
	s8 =	smul.u32 $0x4ED, s7  }
0xb: {  	_ =	strace $0x8000004A;
	s7 =	smul.u32 $0x680, s7;
	s31 =	sshrl.u32 s5, $0x1  }
0xc: {  	s9 =	sadd.s32 s10, s9;
	s10 =	sshrl.u32 s30, $0x2;
	s11 =	ssub.s32 s5, s31  }
0xd: {  	s8 =	sadd.s32 s8, s6;
	s7 =	sadd.s32 s7, s6;
	s9 =	sshrl.u32 s9, $0x3  }
0xe: {  	s9 =	sadd.s32 s9, s6;
	s5 =	sadd.s32 $0x2200, s8;
	s6 =	sadd.s32 s10, s3  }
0xf: {  	s7 =	sadd.s32 $0xC000, s7;
	s10 =	smax.u32 s11, $0x1;
	s8 =	sadd.s32 $0x13800, s6  }
0x10: {  	s9 =	sadd.s32 $0x19000, s9;
	s11 =	sadd.s32 $0x3400, s6;
	s12 =	sadd.s32 $0x6800, s6  }
0x11: {  	v0 =	vimm.f32 $0.0e+00;
	s13 =	sadd.s32 $0x9C00, s6;
	s14 =	sadd.s32 $0xD000, s6;
	s15 =	sadd.s32 $0x10400, s6  }
.LBB2_1:
0x12: {  	[tilespmem:s4], [sflag:$0x1] =	stream.linear.gather [hbm4b:s5+s4], $0x2768, $0x38;
	[tilespmem:$0x1FF80] =	vst v63  }
0x13: {  	s29 =	sand.u32 $0xFE00, s4  }
0x14: {  	s30 =	sand.u32 $0x70, s4;
	s31 =	sshrl.u32 s29, $0x2  }
0x15: {  	[tilespmem:s16], [sflag:$0x2] =	stream.linear.gather [hbm4b:s7+s4], $0x3080, $0x38;
	[tilespmem:$0x1FF80] =	vst v63  }
0x16: {  	s29 =	simm.s32 $0x40;
	s31 =	sor.u32 s30, s31;
	s30 =	simm.s32 $0x0  }
.LBB2_2:
0x17: {  	p0 =	sne.s32 s29, $0xCFC0  }
0x18: {  	[tilespmem:s31+$0x5B80] =	vst v0;
	s30 =	sadd.s32 $0x10, s30;
	s31 =	smov.u32 s29;
	s29 =	sadd.s32 $0x40, s29  }
.Ltmp0:
0x19: {  	(pc) =	sbr.rel @p0 .LBB2_2-.Ltmp0, $4  }
0x1a: {  	_ = 	snop  }
0x1b: {  	s31 =	sand.u32 $0xFE00, s31  }
0x1c: {  	s2 =	sand.u32 $0x70, s30;
	s31 =	sshrl.u32 s31, $0x2  }
0x1d: {  	s31 =	sor.u32 s2, s31  }
0x1e: {  	[tilespmem:s31+$0x5B80] =	vst v0  }
0x1f: {  	[spmem:s6] =	stream.linear.scatter [tilespmem:s17], [sflag:$0x3], $0x3400, $0x38;
	[tilespmem:$0x1FF80] =	vst v63  }
0x20: {  	_ =	swait.ge [sflag:s18], $0x3400  }
0x21: {  	[sflag:s18] =	ssyncset.done $0x0  }
0x22: {  	[sflag:s18] =	ssyncadd.s32 $0xFFFFCC00  }
0x23: {  	[spmem:s11] =	stream.linear.scatter [tilespmem:s17], [sflag:$0x3], $0x3400, $0x38;
	[tilespmem:$0x1FF80] =	vst v63  }
0x24: {  	_ =	swait.ge [sflag:s18], $0x3400  }
0x25: {  	[sflag:s18] =	ssyncset.done $0x0  }
0x26: {  	[sflag:s18] =	ssyncadd.s32 $0xFFFFCC00  }
0x27: {  	[spmem:s12] =	stream.linear.scatter [tilespmem:s17], [sflag:$0x3], $0x3400, $0x38;
	[tilespmem:$0x1FF80] =	vst v63  }
0x28: {  	_ =	swait.ge [sflag:s18], $0x3400  }
0x29: {  	[sflag:s18] =	ssyncset.done $0x0  }
0x2a: {  	[sflag:s18] =	ssyncadd.s32 $0xFFFFCC00  }
0x2b: {  	[spmem:s13] =	stream.linear.scatter [tilespmem:s17], [sflag:$0x3], $0x3400, $0x38;
	[tilespmem:$0x1FF80] =	vst v63  }
0x2c: {  	_ =	swait.ge [sflag:s18], $0x3400  }
0x2d: {  	[sflag:s18] =	ssyncset.done $0x0  }
0x2e: {  	[sflag:s18] =	ssyncadd.s32 $0xFFFFCC00  }
0x2f: {  	[spmem:s14] =	stream.linear.scatter [tilespmem:s17], [sflag:$0x3], $0x3400, $0x38;
	[tilespmem:$0x1FF80] =	vst v63  }
0x30: {  	_ =	swait.ge [sflag:s18], $0x3400  }
0x31: {  	[sflag:s18] =	ssyncset.done $0x0  }
0x32: {  	[sflag:s18] =	ssyncadd.s32 $0xFFFFCC00  }
0x33: {  	[spmem:s15] =	stream.linear.scatter [tilespmem:s17], [sflag:$0x3], $0x3400, $0x38;
	[tilespmem:$0x1FF80] =	vst v63  }
0x34: {  	_ =	swait.ge [sflag:s18], $0x3400  }
0x35: {  	[sflag:s18] =	ssyncset.done $0x0  }
0x36: {  	[sflag:s18] =	ssyncadd.s32 $0xFFFFCC00  }
0x37: {  	[spmem:s8] =	stream.linear.scatter [tilespmem:s17], [sflag:$0x3], $0x400, $0x38;
	[tilespmem:$0x1FF80] =	vst v63  }
0x38: {  	_ =	swait.ge [sflag:s18], $0x400  }
0x39: {  	[sflag:s18] =	ssyncset.done $0x0  }
0x3a: {  	[sflag:s18] =	ssyncadd.s32 $0xFFFFFC00  }
0x3b: {  	_ =	swait.ge [sflag:s19], $0x2768  }
0x3c: {  	[sflag:s19] =	ssyncset.done $0x0  }
0x3d: {  	[sflag:s19] =	ssyncadd.s32 $0xFFFFD898  }
0x3e: {  	_ =	swait.ge [sflag:s20], $0x3080  }
0x3f: {  	[sflag:s20] =	ssyncset.done $0x0  }
0x40: {  	[sflag:s20] =	ssyncadd.s32 $0xFFFFCF80  }
0x41: {  	s2 =	simm.s32 $0x0;
	[bflag:$0x0] =	sbarrier.arrive $0xFFFF  }
0x42: {  	[tilespmem:s17], [sflag:$0x1] =	stream.indirect.gather [hbm4b:s1+s21], $0x80, s2, s21, $0xb8;
	[tilespmem:$0x1FF80] =	vst v63  }
0x43: {  	_ = 	snop  }
0x44: {  	[tilespmem:s22], [sflag:$0x2] =	stream.indirect.gather [hbm4b:s1+s21], $0x80, s21, s21, $0xb8;
	[tilespmem:$0x1FF80] =	vst v63  }
0x45: {  	_ =	swait.ge [sflag:s19], $0x3400  }
0x46: {  	[sflag:s19] =	ssyncset.done $0x0  }
0x47: {  	s0 =	simm.s32 $0x2780;
	[sflag:s19] =	ssyncadd.s32 $0xFFFFCC00  }
0x48: {  	[spmem:s3] =	stream.indirect.scatter.add.f32 [tilespmem:s17], [sflag:$0x3], $0x80, s0, s21, $0xb8;
	[tilespmem:$0x1FF80] =	vst v63  }
0x49: {  	_ =	swait.ge [sflag:s18], $0x3400  }
0x4a: {  	[sflag:s18] =	ssyncset.done $0x0  }
0x4b: {  	s0 =	simm.s32 $0xD0;
	[sflag:s18] =	ssyncadd.s32 $0xFFFFCC00  }
0x4c: {  	[tilespmem:s17], [sflag:$0x1] =	stream.indirect.gather [hbm4b:s1+s21], $0x80, s0, s21, $0xb8;
	[tilespmem:$0x1FF80] =	vst v63  }
0x4d: {  	_ =	swait.ge [sflag:s20], $0x3400  }
0x4e: {  	[sflag:s20] =	ssyncset.done $0x0  }
0x4f: {  	s0 =	simm.s32 $0x2800;
	[sflag:s20] =	ssyncadd.s32 $0xFFFFCC00  }
0x50: {  	[spmem:s3] =	stream.indirect.scatter.add.f32 [tilespmem:s22], [sflag:$0x3], $0x80, s0, s21, $0xb8;
	[tilespmem:$0x1FF80] =	vst v63  }
0x51: {  	_ =	swait.ge [sflag:s18], $0x3400  }
0x52: {  	s29 =	simm.s32 $0x138;
	[sflag:s18] =	ssyncset.done $0x0  }
0x53: {  	s30 =	simm.s32 $0x400;
	s31 =	simm.s32 $0x208;
	[sflag:s18] =	ssyncadd.s32 $0xFFFFCC00  }
.LBB2_4:
0x54: {  	[tilespmem:s22], [sflag:$0x2] =	stream.indirect.gather [hbm4b:s1+s21], $0x80, s29, s21, $0xb8;
	[tilespmem:$0x1FF80] =	vst v63  }
0x55: {  	s2 =	smov.u32 s30;
	s29 =	smov.u32 s31  }
0x56: {  	p0 =	sne.s32 s30, $0xB800;
	s30 =	sadd.s32 $0x400, s30;
	_ =	swait.ge [sflag:s19], $0x3400  }
0x57: {  	s2 =	sshra.s32 s2, $0x2;
	[sflag:s19] =	ssyncset.done $0x0  }
0x58: {  	s0 =	sadd.s32 $0x2780, s2;
	[sflag:s19] =	ssyncadd.s32 $0xFFFFCC00  }
0x59: {  	[spmem:s3] =	stream.indirect.scatter.add.f32 [tilespmem:s17], [sflag:$0x3], $0x80, s0, s21, $0xb8;
	[tilespmem:$0x1FF80] =	vst v63  }
0x5a: {  	_ =	swait.ge [sflag:s18], $0x3400  }
0x5b: {  	[sflag:s18] =	ssyncset.done $0x0  }
0x5c: {  	s0 =	sadd.s32 $0xFFFFFF98, s31;
	[sflag:s18] =	ssyncadd.s32 $0xFFFFCC00  }
0x5d: {  	[tilespmem:s17], [sflag:$0x1] =	stream.indirect.gather [hbm4b:s1+s21], $0x80, s0, s21, $0xb8;
	[tilespmem:$0x1FF80] =	vst v63  }
0x5e: {  	_ =	swait.ge [sflag:s20], $0x3400  }
0x5f: {  	[sflag:s20] =	ssyncset.done $0x0  }
.Ltmp1:
0x60: {  	s0 =	sadd.s32 $0x2800, s2;
	[sflag:s20] =	ssyncadd.s32 $0xFFFFCC00;
	(pc) =	sbr.rel @p0 .LBB2_4-.Ltmp1, $4  }
0x61: {  	[spmem:s3] =	stream.indirect.scatter.add.f32 [tilespmem:s22], [sflag:$0x3], $0x80, s0, s21, $0xb8;
	[tilespmem:$0x1FF80] =	vst v63  }
0x62: {  	_ =	swait.ge [sflag:s18], $0x3400  }
0x63: {  	[sflag:s18] =	ssyncset.done $0x0  }
0x64: {  	s31 =	sadd.s32 $0xD0, s31;
	[sflag:s18] =	ssyncadd.s32 $0xFFFFCC00  }
0x65: {  	[tilespmem:s22], [sflag:$0x2] =	stream.indirect.gather [hbm4b:s1+s21], $0x80, s29, s21, $0xb8;
	[tilespmem:$0x1FF80] =	vst v63  }
0x66: {  	_ =	swait.ge [sflag:s19], $0x3400  }
0x67: {  	[sflag:s19] =	ssyncset.done $0x0  }
0x68: {  	[sflag:s19] =	ssyncadd.s32 $0xFFFFCC00  }
0x69: {  	[spmem:s3] =	stream.indirect.scatter.add.f32 [tilespmem:s17], [sflag:$0x3], $0x80, s23, s21, $0xb8;
	[tilespmem:$0x1FF80] =	vst v63  }
0x6a: {  	_ =	swait.ge [sflag:s18], $0x3400  }
0x6b: {  	[sflag:s18] =	ssyncset.done $0x0  }
0x6c: {  	[sflag:s18] =	ssyncadd.s32 $0xFFFFCC00  }
0x6d: {  	[tilespmem:s17], [sflag:$0x1] =	stream.indirect.gather [hbm4b:s1+s21], $0x80, s24, s21, $0xb8;
	[tilespmem:$0x1FF80] =	vst v63  }
0x6e: {  	_ =	swait.ge [sflag:s20], $0x3400  }
0x6f: {  	[sflag:s20] =	ssyncset.done $0x0  }
0x70: {  	[sflag:s20] =	ssyncadd.s32 $0xFFFFCC00  }
0x71: {  	[spmem:s3] =	stream.indirect.scatter.add.f32 [tilespmem:s22], [sflag:$0x3], $0x80, s25, s21, $0xb8;
	[tilespmem:$0x1FF80] =	vst v63  }
0x72: {  	_ =	swait.ge [sflag:s18], $0x3400  }
0x73: {  	[sflag:s18] =	ssyncset.done $0x0  }
0x74: {  	[sflag:s18] =	ssyncadd.s32 $0xFFFFCC00  }
0x75: {  	_ =	swait.ge [sflag:s19], $0x3400  }
0x76: {  	[sflag:s19] =	ssyncset.done $0x0  }
0x77: {  	[sflag:s19] =	ssyncadd.s32 $0xFFFFCC00  }
0x78: {  	[spmem:s3] =	stream.indirect.scatter.add.f32 [tilespmem:s17], [sflag:$0x3], $0x80, s26, s21, $0xb8;
	[tilespmem:$0x1FF80] =	vst v63  }
0x79: {  	s0 =	stileid.u32;
	_ =	swait.ge [sflag:s18], $0x3400  }
0x7a: {  	s2 =	sshrl.u32 s6, $0x3;
	s28 =	sadd.s32 $0x1, s28;
	[sflag:s18] =	ssyncset.done $0x0  }
0x7b: {  	s0 =	sshll.u32 s0, $0x6;
	p0 =	sne.s32 s28, s10;
	[sflag:s18] =	ssyncadd.s32 $0xFFFFCC00  }
.Ltmp2:
0x7c: {  	s0 =	sor.u32 $0x1C03, s0;
	[bflag:$0x0] =	sbarrier.arrive $0xFFFF;
	(pc) =	sbr.rel @p0 .LBB2_1-.Ltmp2, $4  }
0x7d: {  	[hbm:s9], [sflag:s0] =	dma.local [spmem:s2], $0x2780  }
0x7e: {  	_ =	swait.ge [sflag:s18], $0x2780  }
0x7f: {  	[sflag:s18] =	ssyncset.done $0x0  }
0x80: {  	[sflag:s18] =	ssyncadd.s32 $0xFFFFD880  }
0x81: {  	_ =	sfence.sel $0x180000  }
0x82: {  	[bflag:$0x0] =	sbarrier.arrive $0xFFFF  }
0x83: {  	_ =	strace $0x9000004A  }
0x84: {  	s0 =	stileid.u32;
	[bflag:$0x2] =	sbarrier.arrive $0xFFFF  }
0x85: {  	p0 =	sne.s32 s0, $0x0;
	s0 =	rddreg [dreg:$0x3]  }
0x86: {  	s0 =	sadd.s32 @!p0 $0x100000, s0  }
0x87: {  	[sflag:s0] =	ssyncadd.tile.s32 @!p0 $0x1;
	_ =	shalt  }
.Lfunc_end2:
_tile_overlayer_lowered:
.L_overlay_start_2:
0x88: {  	(tag) =	ssettag $0x2  }
0x89: {  	s0 =	rddreg [dreg:$0x0];
	s2 =	stileid.u32  }
0x8a: {  	s1 =	rddreg [dreg:$0x1];
	p0 =	sne.s32 s2, $0x0  }
0x8b: {  	s3 =	rddreg [dreg:$0x2];
	[bflag:$0x3] =	sbarrier.arrive $0xFFFF;
	s2 =	simm.s32 @!p0 $0x1C03  }
0x8c: {  	[timem:s3], [sflag:s2] =	dma.local @!p0 [hbm:s0], s1  }
0x8d: {  	s0 =	simm.s32 @!p0 $0x3  }
0x8e: {  	_ =	swait.ge @!p0 [sflag:s0], s1  }
0x8f: {  	s1 =	ssub.s32 @!p0 $0x0, s1;
	[sflag:s0] =	ssyncset.done @!p0 $0x0  }
0x90: {  	[sflag:s0] =	ssyncadd.s32 @!p0 s1  }
0x91: {  	[bflag:$0x3] =	sbarrier.arrive $0xFFFF  }
0x92: {  	_ =	shalt  }

</sc_bundles>
